<compile_context>
chip_gen: v7x
topology: tpu7x:2x2x1
jax: 0.10.2.dev20260603
libtpu: 0.0.44.dev20260713+nightly
codegen_flags: <defaults>
</compile_context>

<pallas_src>
import functools

import jax
import jax.numpy as jnp
from jax import lax
from jax.experimental import pallas as pl
from jax.experimental.pallas import tpu as pltpu
from jax.experimental.pallas import tpu_sc as plsc

B = 16384
ED = 16
H1 = 512
NOUT = 3392

_NC = 2
_NS = 16
_NW = _NC * _NS
_BPW = B // _NW
_CHUNK = 128
_NCHUNK = _BPW // _CHUNK

_BM = 256


def _make_gather5():
    mesh = plsc.VectorSubcoreMesh(core_axis_name="c", subcore_axis_name="s")

    @functools.partial(
        pl.kernel,
        mesh=mesh,
        compiler_params=pltpu.CompilerParams(use_tc_tiling_on_sc=False),
        out_type=[jax.ShapeDtypeStruct((B, ED), jnp.float32)] * 5,
        scratch_types=[
            pltpu.VMEM((5, _BPW), jnp.int32),
            pltpu.VMEM((5, _BPW, ED), jnp.float32),
            pltpu.SemaphoreType.DMA,
        ],
    )
    def gather5(t0, t1, t2, t3, t4, i0, i1, i2, i3, i4,
                o0, o1, o2, o3, o4, idx_v, rows_v, sem):
        wid = lax.axis_index("s") * _NC + lax.axis_index("c")
        base = wid * _BPW
        tabs = (t0, t1, t2, t3, t4)
        idss = (i0, i1, i2, i3, i4)
        outs = (o0, o1, o2, o3, o4)
        idx_copies = [
            pltpu.async_copy(idss[t].at[pl.ds(base, _BPW)], idx_v.at[t], sem)
            for t in range(5)
        ]
        for c in idx_copies:
            c.wait()
        gathers = [
            pltpu.async_copy(tabs[t].at[idx_v.at[t, pl.ds(j * _CHUNK, _CHUNK)]],
                             rows_v.at[t, pl.ds(j * _CHUNK, _CHUNK)], sem)
            for t in range(5) for j in range(_NCHUNK)
        ]
        for c in gathers:
            c.wait()
        wb = [
            pltpu.async_copy(rows_v.at[t], outs[t].at[pl.ds(base, _BPW)], sem)
            for t in range(5)
        ]
        for c in wb:
            c.wait()

    return gather5


_gather5 = _make_gather5()


def _mlp_body(path_ref, e0, e1, e2, e3, e4,
              w1p, w1t, w1c, w1w, w1d, w1h, b1, w2, b2, out_ref):
    h = jnp.dot(path_ref[...], w1p[...], preferred_element_type=jnp.float32)
    h = h + jnp.dot(e0[...], w1t[...], preferred_element_type=jnp.float32)
    h = h + jnp.dot(e1[...], w1c[...], preferred_element_type=jnp.float32)
    h = h + jnp.dot(e2[...], w1w[...], preferred_element_type=jnp.float32)
    h = h + jnp.dot(e3[...], w1d[...], preferred_element_type=jnp.float32)
    h = h + jnp.dot(e4[...], w1h[...], preferred_element_type=jnp.float32)
    h = jnp.maximum(h + b1[...], 0.0)
    logits = jnp.dot(h.astype(jnp.bfloat16), w2[...],
                     preferred_element_type=jnp.float32) + b2[...]
    m = jnp.max(logits, axis=1, keepdims=True)
    e = jnp.exp(logits - m)
    out_ref[...] = e / jnp.sum(e, axis=1, keepdims=True)


def _mlp(path, embs, w1p, w1ts, b1, w2, b2):
    grid = (B // _BM,)
    const = lambda shape: pl.BlockSpec(shape, lambda i: (0, 0))
    in_specs = [pl.BlockSpec((_BM, path.shape[1]), lambda i: (i, 0))]
    in_specs += [pl.BlockSpec((_BM, ED), lambda i: (i, 0)) for _ in range(5)]
    in_specs += [const((w1p.shape[0], H1))]
    in_specs += [const((ED, H1)) for _ in range(5)]
    in_specs += [const((1, H1)), const((H1, NOUT)), const((1, NOUT))]
    return pl.pallas_call(
        _mlp_body,
        grid=grid,
        in_specs=in_specs,
        out_specs=pl.BlockSpec((_BM, NOUT), lambda i: (i, 0)),
        out_shape=jax.ShapeDtypeStruct((B, NOUT), jnp.float32),
    )(path, *embs, w1p, *w1ts, b1, w2, b2)


def kernel(path, taxi_ids, client_ids, week, day, hour,
           embTaxi, embClient, embWeek, embDay, embHour, W1, b1, W2, b2):
    pad_tab = lambda t: jnp.pad(t, ((0, 0), (0, ED - t.shape[1])))
    tables = [pad_tab(t) for t in (embTaxi, embClient, embWeek, embDay, embHour)]
    ids = [i.astype(jnp.int32)
           for i in (taxi_ids, client_ids, week, day, hour)]
    embs = _gather5(*tables, *ids)

    npath = path.shape[1]
    w1p = jnp.pad(W1[:npath], ((0, 0), (0, H1 - W1.shape[1])))
    w1ts = [jnp.pad(W1[npath + 10 * t: npath + 10 * (t + 1)],
                    ((0, ED - 10), (0, H1 - W1.shape[1]))) for t in range(5)]
    b1p = jnp.pad(b1, (0, H1 - b1.shape[0])).reshape(1, H1)
    w2p = jnp.pad(W2, ((0, H1 - W2.shape[0]), (0, 0))).astype(jnp.bfloat16)
    b2p = b2.reshape(1, NOUT)
    return _mlp(path, embs, w1p, w1ts, b1p, w2p, b2p)

# --- scband reference (transcript-rebuilt; emitter-appended) ---
"""Pipeline reference for scband-prediction-dest-69965017252608 (READ-ONLY COPY).

The authoritative reference and input builder live on the scoring server;
editing this copy changes nothing except your own understanding.
"""

import jax, jax.numpy as jnp
import numpy as np

B = 16384

def setup_inputs(seed: int = 0) -> dict:
    key = jax.random.key(seed)
    ks = jax.random.split(key, 16)
    path = jax.random.normal(ks[0], (B, 20), dtype=jnp.float32)
    taxi_ids = jax.random.randint(ks[1], (B,), 0, 1000)
    client_ids = jax.random.randint(ks[2], (B,), 0, 100000)
    week = jax.random.randint(ks[3], (B,), 0, 52)
    day = jax.random.randint(ks[4], (B,), 0, 7)
    hour = jax.random.randint(ks[5], (B,), 0, 96)
    embTaxi = jax.random.normal(ks[6], (1000, 10), dtype=jnp.float32)
    embClient = jax.random.normal(ks[7], (100000, 10), dtype=jnp.float32)
    embWeek = jax.random.normal(ks[8], (52, 10), dtype=jnp.float32)
    embDay = jax.random.normal(ks[9], (7, 10), dtype=jnp.float32)
    embHour = jax.random.normal(ks[10], (96, 10), dtype=jnp.float32)
    W1 = jax.random.normal(ks[11], (70, 500), dtype=jnp.float32) * 0.05
    b1 = jnp.zeros((500,), dtype=jnp.float32)
    W2 = jax.random.normal(ks[12], (500, 3392), dtype=jnp.float32) * 0.05
    b2 = jnp.zeros((3392,), dtype=jnp.float32)
    return {"path": path, "taxi_ids": taxi_ids, "client_ids": client_ids, "week": week, "day": day, "hour": hour, "embTaxi": embTaxi, "embClient": embClient, "embWeek": embWeek, "embDay": embDay, "embHour": embHour, "W1": W1, "b1": b1, "W2": W2, "b2": b2}

def reference(path, taxi_ids, client_ids, week, day, hour, embTaxi, embClient, embWeek, embDay, embHour, W1, b1, W2, b2):
    taxi_emb = jnp.take(embTaxi, taxi_ids, axis=0)
    client_emb = jnp.take(embClient, client_ids, axis=0)
    week_emb = jnp.take(embWeek, week, axis=0)
    day_emb = jnp.take(embDay, day, axis=0)
    hour_emb = jnp.take(embHour, hour, axis=0)
    x = jnp.concatenate((path, taxi_emb, client_emb, week_emb, day_emb, hour_emb), axis=1)
    x = x @ W1 + b1
    x = jax.nn.relu(x)
    x = x @ W2 + b2
    x = jax.nn.softmax(x, axis=-1)
    return x

if __name__ == "__main__":
    import jax
    _d = setup_inputs()
    print(jax.jit(kernel)(*tuple(_d.values())))

</pallas_src>

<mosaic_0001>
#map = affine_map<(d0, d1) -> (0, 0)>
#map1 = affine_map<(d0, d1) -> (0)>
module attributes {stable_mosaic.version = 14 : i64} {
  func.func @gather5(%arg0: i32, %arg1: i32, %arg2: memref<1000x16xf32, #tpu.memory_space<hbm>>, %arg3: memref<100000x16xf32, #tpu.memory_space<hbm>>, %arg4: memref<52x16xf32, #tpu.memory_space<hbm>>, %arg5: memref<7x16xf32, #tpu.memory_space<hbm>>, %arg6: memref<96x16xf32, #tpu.memory_space<hbm>>, %arg7: memref<16384xi32, #tpu.memory_space<hbm>>, %arg8: memref<16384xi32, #tpu.memory_space<hbm>>, %arg9: memref<16384xi32, #tpu.memory_space<hbm>>, %arg10: memref<16384xi32, #tpu.memory_space<hbm>>, %arg11: memref<16384xi32, #tpu.memory_space<hbm>>, %arg12: memref<16384x16xf32, #tpu.memory_space<hbm>>, %arg13: memref<16384x16xf32, #tpu.memory_space<hbm>>, %arg14: memref<16384x16xf32, #tpu.memory_space<hbm>>, %arg15: memref<16384x16xf32, #tpu.memory_space<hbm>>, %arg16: memref<16384x16xf32, #tpu.memory_space<hbm>>, %arg17: memref<5x512xi32, #tpu.memory_space<vmem>>, %arg18: memref<5x512x16xf32, #tpu.memory_space<vmem>>, %arg19: memref<!tpu.dma_semaphore, #tpu.memory_space<semaphore_mem>>) attributes {dimension_semantics = [#tpu.dimension_semantics<core_parallel>, #tpu.dimension_semantics<subcore_parallel>], iteration_bounds = array<i64: 2, 16>, scalar_prefetch = 0 : i64, scratch_operands = 3 : i64, tpu.core_type = #tpu.core_type<sc_vector_subcore>, window_params = [{transform_indices = #map}, {transform_indices = #map}, {transform_indices = #map}, {transform_indices = #map}, {transform_indices = #map}, {transform_indices = #map1}, {transform_indices = #map1}, {transform_indices = #map1}, {transform_indices = #map1}, {transform_indices = #map1}, {transform_indices = #map}, {transform_indices = #map}, {transform_indices = #map}, {transform_indices = #map}, {transform_indices = #map}]} {
    %mul3A = arith.constant 2 : i32
    %mul3A_0 = arith.muli %arg1, %mul3A : i32
    %add3A = arith.addi %mul3A_0, %arg0 : i32
    %mul3A_1 = arith.constant 512 : i32
    %mul3A_2 = arith.muli %add3A, %mul3A_1 : i32
    %dma_start3A = arith.constant 0 : i32
    %dma_start3A_3 = arith.constant 0 : i32
    %dma_start3A_4 = tpu.memref_slice %arg17[%dma_start3A, %dma_start3A_3] : memref<5x512xi32, #tpu.memory_space<vmem>> -> memref<1x512xi32, #tpu.memory_space<vmem>>
    %dma_start3A_5 = tpu.memref_squeeze %dma_start3A_4 : memref<1x512xi32, #tpu.memory_space<vmem>> -> memref<512xi32, #tpu.memory_space<vmem>>
    %dma_start3A_6 = tpu.memref_slice %arg7[%mul3A_2] : memref<16384xi32, #tpu.memory_space<hbm>> -> memref<512xi32, #tpu.memory_space<hbm>>
    %dma_start3A_7 = arith.constant 0 : i32
    %dma_start3A_8 = tpu.memref_slice %arg17[%dma_start3A, %dma_start3A_7] : memref<5x512xi32, #tpu.memory_space<vmem>> -> memref<1x512xi32, #tpu.memory_space<vmem>>
    %dma_start3A_9 = tpu.memref_squeeze %dma_start3A_8 : memref<1x512xi32, #tpu.memory_space<vmem>> -> memref<512xi32, #tpu.memory_space<vmem>>
    %dma_start3A_10 = tpu.memref_slice %arg7[%mul3A_2] : memref<16384xi32, #tpu.memory_space<hbm>> -> memref<512xi32, #tpu.memory_space<hbm>>
    tpu.enqueue_dma source(%dma_start3A_10 : memref<512xi32, #tpu.memory_space<hbm>>) target(%dma_start3A_9 : memref<512xi32, #tpu.memory_space<vmem>>) target_semaphore(%arg19 : memref<!tpu.dma_semaphore, #tpu.memory_space<semaphore_mem>>)
    %dma_start3A_11 = arith.constant 1 : i32
    %dma_start3A_12 = arith.constant 0 : i32
    %dma_start3A_13 = tpu.memref_slice %arg17[%dma_start3A_11, %dma_start3A_12] : memref<5x512xi32, #tpu.memory_space<vmem>> -> memref<1x512xi32, #tpu.memory_space<vmem>>
    %dma_start3A_14 = tpu.memref_squeeze %dma_start3A_13 : memref<1x512xi32, #tpu.memory_space<vmem>> -> memref<512xi32, #tpu.memory_space<vmem>>
    %dma_start3A_15 = tpu.memref_slice %arg8[%mul3A_2] : memref<16384xi32, #tpu.memory_space<hbm>> -> memref<512xi32, #tpu.memory_space<hbm>>
    %dma_start3A_16 = arith.constant 0 : i32
    %dma_start3A_17 = tpu.memref_slice %arg17[%dma_start3A_11, %dma_start3A_16] : memref<5x512xi32, #tpu.memory_space<vmem>> -> memref<1x512xi32, #tpu.memory_space<vmem>>
    %dma_start3A_18 = tpu.memref_squeeze %dma_start3A_17 : memref<1x512xi32, #tpu.memory_space<vmem>> -> memref<512xi32, #tpu.memory_space<vmem>>
    %dma_start3A_19 = tpu.memref_slice %arg8[%mul3A_2] : memref<16384xi32, #tpu.memory_space<hbm>> -> memref<512xi32, #tpu.memory_space<hbm>>
    tpu.enqueue_dma source(%dma_start3A_19 : memref<512xi32, #tpu.memory_space<hbm>>) target(%dma_start3A_18 : memref<512xi32, #tpu.memory_space<vmem>>) target_semaphore(%arg19 : memref<!tpu.dma_semaphore, #tpu.memory_space<semaphore_mem>>)
    %dma_start3A_20 = arith.constant 2 : i32
    %dma_start3A_21 = arith.constant 0 : i32
    %dma_start3A_22 = tpu.memref_slice %arg17[%dma_start3A_20, %dma_start3A_21] : memref<5x512xi32, #tpu.memory_space<vmem>> -> memref<1x512xi32, #tpu.memory_space<vmem>>
    %dma_start3A_23 = tpu.memref_squeeze %dma_start3A_22 : memref<1x512xi32, #tpu.memory_space<vmem>> -> memref<512xi32, #tpu.memory_space<vmem>>
    %dma_start3A_24 = tpu.memref_slice %arg9[%mul3A_2] : memref<16384xi32, #tpu.memory_space<hbm>> -> memref<512xi32, #tpu.memory_space<hbm>>
    %dma_start3A_25 = arith.constant 0 : i32
    %dma_start3A_26 = tpu.memref_slice %arg17[%dma_start3A_20, %dma_start3A_25] : memref<5x512xi32, #tpu.memory_space<vmem>> -> memref<1x512xi32, #tpu.memory_space<vmem>>
    %dma_start3A_27 = tpu.memref_squeeze %dma_start3A_26 : memref<1x512xi32, #tpu.memory_space<vmem>> -> memref<512xi32, #tpu.memory_space<vmem>>
    %dma_start3A_28 = tpu.memref_slice %arg9[%mul3A_2] : memref<16384xi32, #tpu.memory_space<hbm>> -> memref<512xi32, #tpu.memory_space<hbm>>
    tpu.enqueue_dma source(%dma_start3A_28 : memref<512xi32, #tpu.memory_space<hbm>>) target(%dma_start3A_27 : memref<512xi32, #tpu.memory_space<vmem>>) target_semaphore(%arg19 : memref<!tpu.dma_semaphore, #tpu.memory_space<semaphore_mem>>)
    %dma_start3A_29 = arith.constant 3 : i32
    %dma_start3A_30 = arith.constant 0 : i32
    %dma_start3A_31 = tpu.memref_slice %arg17[%dma_start3A_29, %dma_start3A_30] : memref<5x512xi32, #tpu.memory_space<vmem>> -> memref<1x512xi32, #tpu.memory_space<vmem>>
    %dma_start3A_32 = tpu.memref_squeeze %dma_start3A_31 : memref<1x512xi32, #tpu.memory_space<vmem>> -> memref<512xi32, #tpu.memory_space<vmem>>
    %dma_start3A_33 = tpu.memref_slice %arg10[%mul3A_2] : memref<16384xi32, #tpu.memory_space<hbm>> -> memref<512xi32, #tpu.memory_space<hbm>>
    %dma_start3A_34 = arith.constant 0 : i32
    %dma_start3A_35 = tpu.memref_slice %arg17[%dma_start3A_29, %dma_start3A_34] : memref<5x512xi32, #tpu.memory_space<vmem>> -> memref<1x512xi32, #tpu.memory_space<vmem>>
    %dma_start3A_36 = tpu.memref_squeeze %dma_start3A_35 : memref<1x512xi32, #tpu.memory_space<vmem>> -> memref<512xi32, #tpu.memory_space<vmem>>
    %dma_start3A_37 = tpu.memref_slice %arg10[%mul3A_2] : memref<16384xi32, #tpu.memory_space<hbm>> -> memref<512xi32, #tpu.memory_space<hbm>>
    tpu.enqueue_dma source(%dma_start3A_37 : memref<512xi32, #tpu.memory_space<hbm>>) target(%dma_start3A_36 : memref<512xi32, #tpu.memory_space<vmem>>) target_semaphore(%arg19 : memref<!tpu.dma_semaphore, #tpu.memory_space<semaphore_mem>>)
    %dma_start3A_38 = arith.constant 4 : i32
    %dma_start3A_39 = arith.constant 0 : i32
    %dma_start3A_40 = tpu.memref_slice %arg17[%dma_start3A_38, %dma_start3A_39] : memref<5x512xi32, #tpu.memory_space<vmem>> -> memref<1x512xi32, #tpu.memory_space<vmem>>
    %dma_start3A_41 = tpu.memref_squeeze %dma_start3A_40 : memref<1x512xi32, #tpu.memory_space<vmem>> -> memref<512xi32, #tpu.memory_space<vmem>>
    %dma_start3A_42 = tpu.memref_slice %arg11[%mul3A_2] : memref<16384xi32, #tpu.memory_space<hbm>> -> memref<512xi32, #tpu.memory_space<hbm>>
    %dma_start3A_43 = arith.constant 0 : i32
    %dma_start3A_44 = tpu.memref_slice %arg17[%dma_start3A_38, %dma_start3A_43] : memref<5x512xi32, #tpu.memory_space<vmem>> -> memref<1x512xi32, #tpu.memory_space<vmem>>
    %dma_start3A_45 = tpu.memref_squeeze %dma_start3A_44 : memref<1x512xi32, #tpu.memory_space<vmem>> -> memref<512xi32, #tpu.memory_space<vmem>>
    %dma_start3A_46 = tpu.memref_slice %arg11[%mul3A_2] : memref<16384xi32, #tpu.memory_space<hbm>> -> memref<512xi32, #tpu.memory_space<hbm>>
    tpu.enqueue_dma source(%dma_start3A_46 : memref<512xi32, #tpu.memory_space<hbm>>) target(%dma_start3A_45 : memref<512xi32, #tpu.memory_space<vmem>>) target_semaphore(%arg19 : memref<!tpu.dma_semaphore, #tpu.memory_space<semaphore_mem>>)
    %dma_wait3A = arith.constant 0 : i32
    %dma_wait3A_47 = arith.constant 0 : i32
    %dma_wait3A_48 = tpu.memref_slice %arg17[%dma_wait3A, %dma_wait3A_47] : memref<5x512xi32, #tpu.memory_space<vmem>> -> memref<1x512xi32, #tpu.memory_space<vmem>>
    %dma_wait3A_49 = tpu.memref_squeeze %dma_wait3A_48 : memref<1x512xi32, #tpu.memory_space<vmem>> -> memref<512xi32, #tpu.memory_space<vmem>>
    %dma_wait3A_50 = tpu.memref_slice %arg7[%mul3A_2] : memref<16384xi32, #tpu.memory_space<hbm>> -> memref<512xi32, #tpu.memory_space<hbm>>
    %dma_wait3A_51 = arith.constant 0 : i32
    %dma_wait3A_52 = tpu.memref_slice %arg17[%dma_wait3A, %dma_wait3A_51] : memref<5x512xi32, #tpu.memory_space<vmem>> -> memref<1x512xi32, #tpu.memory_space<vmem>>
    %dma_wait3A_53 = tpu.memref_squeeze %dma_wait3A_52 : memref<1x512xi32, #tpu.memory_space<vmem>> -> memref<512xi32, #tpu.memory_space<vmem>>
    %dma_wait3A_54 = tpu.memref_slice %arg7[%mul3A_2] : memref<16384xi32, #tpu.memory_space<hbm>> -> memref<512xi32, #tpu.memory_space<hbm>>
    tpu.wait_dma2 semaphore(%arg19 : memref<!tpu.dma_semaphore, #tpu.memory_space<semaphore_mem>>) src(%dma_wait3A_54 : memref<512xi32, #tpu.memory_space<hbm>>) dst(%dma_wait3A_53 : memref<512xi32, #tpu.memory_space<vmem>>)
    %dma_wait3A_55 = arith.constant 1 : i32
    %dma_wait3A_56 = arith.constant 0 : i32
    %dma_wait3A_57 = tpu.memref_slice %arg17[%dma_wait3A_55, %dma_wait3A_56] : memref<5x512xi32, #tpu.memory_space<vmem>> -> memref<1x512xi32, #tpu.memory_space<vmem>>
    %dma_wait3A_58 = tpu.memref_squeeze %dma_wait3A_57 : memref<1x512xi32, #tpu.memory_space<vmem>> -> memref<512xi32, #tpu.memory_space<vmem>>
    %dma_wait3A_59 = tpu.memref_slice %arg8[%mul3A_2] : memref<16384xi32, #tpu.memory_space<hbm>> -> memref<512xi32, #tpu.memory_space<hbm>>
    %dma_wait3A_60 = arith.constant 0 : i32
    %dma_wait3A_61 = tpu.memref_slice %arg17[%dma_wait3A_55, %dma_wait3A_60] : memref<5x512xi32, #tpu.memory_space<vmem>> -> memref<1x512xi32, #tpu.memory_space<vmem>>
    %dma_wait3A_62 = tpu.memref_squeeze %dma_wait3A_61 : memref<1x512xi32, #tpu.memory_space<vmem>> -> memref<512xi32, #tpu.memory_space<vmem>>
    %dma_wait3A_63 = tpu.memref_slice %arg8[%mul3A_2] : memref<16384xi32, #tpu.memory_space<hbm>> -> memref<512xi32, #tpu.memory_space<hbm>>
    tpu.wait_dma2 semaphore(%arg19 : memref<!tpu.dma_semaphore, #tpu.memory_space<semaphore_mem>>) src(%dma_wait3A_63 : memref<512xi32, #tpu.memory_space<hbm>>) dst(%dma_wait3A_62 : memref<512xi32, #tpu.memory_space<vmem>>)
    %dma_wait3A_64 = arith.constant 2 : i32
    %dma_wait3A_65 = arith.constant 0 : i32
    %dma_wait3A_66 = tpu.memref_slice %arg17[%dma_wait3A_64, %dma_wait3A_65] : memref<5x512xi32, #tpu.memory_space<vmem>> -> memref<1x512xi32, #tpu.memory_space<vmem>>
    %dma_wait3A_67 = tpu.memref_squeeze %dma_wait3A_66 : memref<1x512xi32, #tpu.memory_space<vmem>> -> memref<512xi32, #tpu.memory_space<vmem>>
    %dma_wait3A_68 = tpu.memref_slice %arg9[%mul3A_2] : memref<16384xi32, #tpu.memory_space<hbm>> -> memref<512xi32, #tpu.memory_space<hbm>>
    %dma_wait3A_69 = arith.constant 0 : i32
    %dma_wait3A_70 = tpu.memref_slice %arg17[%dma_wait3A_64, %dma_wait3A_69] : memref<5x512xi32, #tpu.memory_space<vmem>> -> memref<1x512xi32, #tpu.memory_space<vmem>>
    %dma_wait3A_71 = tpu.memref_squeeze %dma_wait3A_70 : memref<1x512xi32, #tpu.memory_space<vmem>> -> memref<512xi32, #tpu.memory_space<vmem>>
    %dma_wait3A_72 = tpu.memref_slice %arg9[%mul3A_2] : memref<16384xi32, #tpu.memory_space<hbm>> -> memref<512xi32, #tpu.memory_space<hbm>>
    tpu.wait_dma2 semaphore(%arg19 : memref<!tpu.dma_semaphore, #tpu.memory_space<semaphore_mem>>) src(%dma_wait3A_72 : memref<512xi32, #tpu.memory_space<hbm>>) dst(%dma_wait3A_71 : memref<512xi32, #tpu.memory_space<vmem>>)
    %dma_wait3A_73 = arith.constant 3 : i32
    %dma_wait3A_74 = arith.constant 0 : i32
    %dma_wait3A_75 = tpu.memref_slice %arg17[%dma_wait3A_73, %dma_wait3A_74] : memref<5x512xi32, #tpu.memory_space<vmem>> -> memref<1x512xi32, #tpu.memory_space<vmem>>
    %dma_wait3A_76 = tpu.memref_squeeze %dma_wait3A_75 : memref<1x512xi32, #tpu.memory_space<vmem>> -> memref<512xi32, #tpu.memory_space<vmem>>
    %dma_wait3A_77 = tpu.memref_slice %arg10[%mul3A_2] : memref<16384xi32, #tpu.memory_space<hbm>> -> memref<512xi32, #tpu.memory_space<hbm>>
    %dma_wait3A_78 = arith.constant 0 : i32
    %dma_wait3A_79 = tpu.memref_slice %arg17[%dma_wait3A_73, %dma_wait3A_78] : memref<5x512xi32, #tpu.memory_space<vmem>> -> memref<1x512xi32, #tpu.memory_space<vmem>>
    %dma_wait3A_80 = tpu.memref_squeeze %dma_wait3A_79 : memref<1x512xi32, #tpu.memory_space<vmem>> -> memref<512xi32, #tpu.memory_space<vmem>>
    %dma_wait3A_81 = tpu.memref_slice %arg10[%mul3A_2] : memref<16384xi32, #tpu.memory_space<hbm>> -> memref<512xi32, #tpu.memory_space<hbm>>
    tpu.wait_dma2 semaphore(%arg19 : memref<!tpu.dma_semaphore, #tpu.memory_space<semaphore_mem>>) src(%dma_wait3A_81 : memref<512xi32, #tpu.memory_space<hbm>>) dst(%dma_wait3A_80 : memref<512xi32, #tpu.memory_space<vmem>>)
    %dma_wait3A_82 = arith.constant 4 : i32
    %dma_wait3A_83 = arith.constant 0 : i32
    %dma_wait3A_84 = tpu.memref_slice %arg17[%dma_wait3A_82, %dma_wait3A_83] : memref<5x512xi32, #tpu.memory_space<vmem>> -> memref<1x512xi32, #tpu.memory_space<vmem>>
    %dma_wait3A_85 = tpu.memref_squeeze %dma_wait3A_84 : memref<1x512xi32, #tpu.memory_space<vmem>> -> memref<512xi32, #tpu.memory_space<vmem>>
    %dma_wait3A_86 = tpu.memref_slice %arg11[%mul3A_2] : memref<16384xi32, #tpu.memory_space<hbm>> -> memref<512xi32, #tpu.memory_space<hbm>>
    %dma_wait3A_87 = arith.constant 0 : i32
    %dma_wait3A_88 = tpu.memref_slice %arg17[%dma_wait3A_82, %dma_wait3A_87] : memref<5x512xi32, #tpu.memory_space<vmem>> -> memref<1x512xi32, #tpu.memory_space<vmem>>
    %dma_wait3A_89 = tpu.memref_squeeze %dma_wait3A_88 : memref<1x512xi32, #tpu.memory_space<vmem>> -> memref<512xi32, #tpu.memory_space<vmem>>
    %dma_wait3A_90 = tpu.memref_slice %arg11[%mul3A_2] : memref<16384xi32, #tpu.memory_space<hbm>> -> memref<512xi32, #tpu.memory_space<hbm>>
    tpu.wait_dma2 semaphore(%arg19 : memref<!tpu.dma_semaphore, #tpu.memory_space<semaphore_mem>>) src(%dma_wait3A_90 : memref<512xi32, #tpu.memory_space<hbm>>) dst(%dma_wait3A_89 : memref<512xi32, #tpu.memory_space<vmem>>)
    %dma_start3A_91 = arith.constant 0 : i32
    %dma_start3A_92 = arith.constant 0 : i32
    %dma_start3A_93 = arith.constant 0 : i32
    %dma_start3A_94 = arith.constant 0 : i32
    %dma_start3A_95 = tpu.memref_slice %arg18[%dma_start3A_92, %dma_start3A_93, %dma_start3A_94] : memref<5x512x16xf32, #tpu.memory_space<vmem>> -> memref<1x128x16xf32, #tpu.memory_space<vmem>>
    %dma_start3A_96 = tpu.memref_squeeze %dma_start3A_95 : memref<1x128x16xf32, #tpu.memory_space<vmem>> -> memref<128x16xf32, #tpu.memory_space<vmem>>
    %dma_start3A_97 = arith.constant 0 : i32
    %dma_start3A_98 = tpu.memref_slice %arg17[%dma_start3A_91, %dma_start3A_97] : memref<5x512xi32, #tpu.memory_space<vmem>> -> memref<1x128xi32, #tpu.memory_space<vmem>>
    %dma_start3A_99 = tpu.memref_squeeze %dma_start3A_98 : memref<1x128xi32, #tpu.memory_space<vmem>> -> memref<128xi32, #tpu.memory_space<vmem>>
    %dma_start3A_100 = arith.constant 0 : i32
    %dma_start3A_101 = arith.constant 0 : i32
    %dma_start3A_102 = tpu.memref_slice %arg2[%dma_start3A_100, %dma_start3A_101] : memref<1000x16xf32, #tpu.memory_space<hbm>> -> memref<1000x16xf32, #tpu.memory_space<hbm>>
    tpu.enqueue_indirect_dma source(%dma_start3A_102 : memref<1000x16xf32, #tpu.memory_space<hbm>>) target(%dma_start3A_96 : memref<128x16xf32, #tpu.memory_space<vmem>>) offsets(%dma_start3A_99 : memref<128xi32, #tpu.memory_space<vmem>>) semaphore(%arg19 : memref<!tpu.dma_semaphore, #tpu.memory_space<semaphore_mem>>)
    %dma_start3A_103 = arith.constant 0 : i32
    %dma_start3A_104 = arith.constant 0 : i32
    %dma_start3A_105 = arith.constant 128 : i32
    %dma_start3A_106 = arith.constant 0 : i32
    %dma_start3A_107 = tpu.memref_slice %arg18[%dma_start3A_104, %dma_start3A_105, %dma_start3A_106] : memref<5x512x16xf32, #tpu.memory_space<vmem>> -> memref<1x128x16xf32, #tpu.memory_space<vmem>>
    %dma_start3A_108 = tpu.memref_squeeze %dma_start3A_107 : memref<1x128x16xf32, #tpu.memory_space<vmem>> -> memref<128x16xf32, #tpu.memory_space<vmem>>
    %dma_start3A_109 = arith.constant 128 : i32
    %dma_start3A_110 = tpu.memref_slice %arg17[%dma_start3A_103, %dma_start3A_109] : memref<5x512xi32, #tpu.memory_space<vmem>> -> memref<1x128xi32, #tpu.memory_space<vmem>>
    %dma_start3A_111 = tpu.memref_squeeze %dma_start3A_110 : memref<1x128xi32, #tpu.memory_space<vmem>> -> memref<128xi32, #tpu.memory_space<vmem>>
    %dma_start3A_112 = arith.constant 0 : i32
    %dma_start3A_113 = arith.constant 0 : i32
    %dma_start3A_114 = tpu.memref_slice %arg2[%dma_start3A_112, %dma_start3A_113] : memref<1000x16xf32, #tpu.memory_space<hbm>> -> memref<1000x16xf32, #tpu.memory_space<hbm>>
    tpu.enqueue_indirect_dma source(%dma_start3A_114 : memref<1000x16xf32, #tpu.memory_space<hbm>>) target(%dma_start3A_108 : memref<128x16xf32, #tpu.memory_space<vmem>>) offsets(%dma_start3A_111 : memref<128xi32, #tpu.memory_space<vmem>>) semaphore(%arg19 : memref<!tpu.dma_semaphore, #tpu.memory_space<semaphore_mem>>)
    %dma_start3A_115 = arith.constant 0 : i32
    %dma_start3A_116 = arith.constant 0 : i32
    %dma_start3A_117 = arith.constant 256 : i32
    %dma_start3A_118 = arith.constant 0 : i32
    %dma_start3A_119 = tpu.memref_slice %arg18[%dma_start3A_116, %dma_start3A_117, %dma_start3A_118] : memref<5x512x16xf32, #tpu.memory_space<vmem>> -> memref<1x128x16xf32, #tpu.memory_space<vmem>>
    %dma_start3A_120 = tpu.memref_squeeze %dma_start3A_119 : memref<1x128x16xf32, #tpu.memory_space<vmem>> -> memref<128x16xf32, #tpu.memory_space<vmem>>
    %dma_start3A_121 = arith.constant 256 : i32
    %dma_start3A_122 = tpu.memref_slice %arg17[%dma_start3A_115, %dma_start3A_121] : memref<5x512xi32, #tpu.memory_space<vmem>> -> memref<1x128xi32, #tpu.memory_space<vmem>>
    %dma_start3A_123 = tpu.memref_squeeze %dma_start3A_122 : memref<1x128xi32, #tpu.memory_space<vmem>> -> memref<128xi32, #tpu.memory_space<vmem>>
    %dma_start3A_124 = arith.constant 0 : i32
    %dma_start3A_125 = arith.constant 0 : i32
    %dma_start3A_126 = tpu.memref_slice %arg2[%dma_start3A_124, %dma_start3A_125] : memref<1000x16xf32, #tpu.memory_space<hbm>> -> memref<1000x16xf32, #tpu.memory_space<hbm>>
    tpu.enqueue_indirect_dma source(%dma_start3A_126 : memref<1000x16xf32, #tpu.memory_space<hbm>>) target(%dma_start3A_120 : memref<128x16xf32, #tpu.memory_space<vmem>>) offsets(%dma_start3A_123 : memref<128xi32, #tpu.memory_space<vmem>>) semaphore(%arg19 : memref<!tpu.dma_semaphore, #tpu.memory_space<semaphore_mem>>)
    %dma_start3A_127 = arith.constant 0 : i32
    %dma_start3A_128 = arith.constant 0 : i32
    %dma_start3A_129 = arith.constant 384 : i32
    %dma_start3A_130 = arith.constant 0 : i32
    %dma_start3A_131 = tpu.memref_slice %arg18[%dma_start3A_128, %dma_start3A_129, %dma_start3A_130] : memref<5x512x16xf32, #tpu.memory_space<vmem>> -> memref<1x128x16xf32, #tpu.memory_space<vmem>>
    %dma_start3A_132 = tpu.memref_squeeze %dma_start3A_131 : memref<1x128x16xf32, #tpu.memory_space<vmem>> -> memref<128x16xf32, #tpu.memory_space<vmem>>
    %dma_start3A_133 = arith.constant 384 : i32
    %dma_start3A_134 = tpu.memref_slice %arg17[%dma_start3A_127, %dma_start3A_133] : memref<5x512xi32, #tpu.memory_space<vmem>> -> memref<1x128xi32, #tpu.memory_space<vmem>>
    %dma_start3A_135 = tpu.memref_squeeze %dma_start3A_134 : memref<1x128xi32, #tpu.memory_space<vmem>> -> memref<128xi32, #tpu.memory_space<vmem>>
    %dma_start3A_136 = arith.constant 0 : i32
    %dma_start3A_137 = arith.constant 0 : i32
    %dma_start3A_138 = tpu.memref_slice %arg2[%dma_start3A_136, %dma_start3A_137] : memref<1000x16xf32, #tpu.memory_space<hbm>> -> memref<1000x16xf32, #tpu.memory_space<hbm>>
    tpu.enqueue_indirect_dma source(%dma_start3A_138 : memref<1000x16xf32, #tpu.memory_space<hbm>>) target(%dma_start3A_132 : memref<128x16xf32, #tpu.memory_space<vmem>>) offsets(%dma_start3A_135 : memref<128xi32, #tpu.memory_space<vmem>>) semaphore(%arg19 : memref<!tpu.dma_semaphore, #tpu.memory_space<semaphore_mem>>)
    %dma_start3A_139 = arith.constant 1 : i32
    %dma_start3A_140 = arith.constant 1 : i32
    %dma_start3A_141 = arith.constant 0 : i32
    %dma_start3A_142 = arith.constant 0 : i32
    %dma_start3A_143 = tpu.memref_slice %arg18[%dma_start3A_140, %dma_start3A_141, %dma_start3A_142] : memref<5x512x16xf32, #tpu.memory_space<vmem>> -> memref<1x128x16xf32, #tpu.memory_space<vmem>>
    %dma_start3A_144 = tpu.memref_squeeze %dma_start3A_143 : memref<1x128x16xf32, #tpu.memory_space<vmem>> -> memref<128x16xf32, #tpu.memory_space<vmem>>
    %dma_start3A_145 = arith.constant 0 : i32
    %dma_start3A_146 = tpu.memref_slice %arg17[%dma_start3A_139, %dma_start3A_145] : memref<5x512xi32, #tpu.memory_space<vmem>> -> memref<1x128xi32, #tpu.memory_space<vmem>>
    %dma_start3A_147 = tpu.memref_squeeze %dma_start3A_146 : memref<1x128xi32, #tpu.memory_space<vmem>> -> memref<128xi32, #tpu.memory_space<vmem>>
    %dma_start3A_148 = arith.constant 0 : i32
    %dma_start3A_149 = arith.constant 0 : i32
    %dma_start3A_150 = tpu.memref_slice %arg3[%dma_start3A_148, %dma_start3A_149] : memref<100000x16xf32, #tpu.memory_space<hbm>> -> memref<100000x16xf32, #tpu.memory_space<hbm>>
    tpu.enqueue_indirect_dma source(%dma_start3A_150 : memref<100000x16xf32, #tpu.memory_space<hbm>>) target(%dma_start3A_144 : memref<128x16xf32, #tpu.memory_space<vmem>>) offsets(%dma_start3A_147 : memref<128xi32, #tpu.memory_space<vmem>>) semaphore(%arg19 : memref<!tpu.dma_semaphore, #tpu.memory_space<semaphore_mem>>)
    %dma_start3A_151 = arith.constant 1 : i32
    %dma_start3A_152 = arith.constant 1 : i32
    %dma_start3A_153 = arith.constant 128 : i32
    %dma_start3A_154 = arith.constant 0 : i32
    %dma_start3A_155 = tpu.memref_slice %arg18[%dma_start3A_152, %dma_start3A_153, %dma_start3A_154] : memref<5x512x16xf32, #tpu.memory_space<vmem>> -> memref<1x128x16xf32, #tpu.memory_space<vmem>>
    %dma_start3A_156 = tpu.memref_squeeze %dma_start3A_155 : memref<1x128x16xf32, #tpu.memory_space<vmem>> -> memref<128x16xf32, #tpu.memory_space<vmem>>
    %dma_start3A_157 = arith.constant 128 : i32
    %dma_start3A_158 = tpu.memref_slice %arg17[%dma_start3A_151, %dma_start3A_157] : memref<5x512xi32, #tpu.memory_space<vmem>> -> memref<1x128xi32, #tpu.memory_space<vmem>>
    %dma_start3A_159 = tpu.memref_squeeze %dma_start3A_158 : memref<1x128xi32, #tpu.memory_space<vmem>> -> memref<128xi32, #tpu.memory_space<vmem>>
    %dma_start3A_160 = arith.constant 0 : i32
    %dma_start3A_161 = arith.constant 0 : i32
    %dma_start3A_162 = tpu.memref_slice %arg3[%dma_start3A_160, %dma_start3A_161] : memref<100000x16xf32, #tpu.memory_space<hbm>> -> memref<100000x16xf32, #tpu.memory_space<hbm>>
    tpu.enqueue_indirect_dma source(%dma_start3A_162 : memref<100000x16xf32, #tpu.memory_space<hbm>>) target(%dma_start3A_156 : memref<128x16xf32, #tpu.memory_space<vmem>>) offsets(%dma_start3A_159 : memref<128xi32, #tpu.memory_space<vmem>>) semaphore(%arg19 : memref<!tpu.dma_semaphore, #tpu.memory_space<semaphore_mem>>)
    %dma_start3A_163 = arith.constant 1 : i32
    %dma_start3A_164 = arith.constant 1 : i32
    %dma_start3A_165 = arith.constant 256 : i32
    %dma_start3A_166 = arith.constant 0 : i32
    %dma_start3A_167 = tpu.memref_slice %arg18[%dma_start3A_164, %dma_start3A_165, %dma_start3A_166] : memref<5x512x16xf32, #tpu.memory_space<vmem>> -> memref<1x128x16xf32, #tpu.memory_space<vmem>>
    %dma_start3A_168 = tpu.memref_squeeze %dma_start3A_167 : memref<1x128x16xf32, #tpu.memory_space<vmem>> -> memref<128x16xf32, #tpu.memory_space<vmem>>
    %dma_start3A_169 = arith.constant 256 : i32
    %dma_start3A_170 = tpu.memref_slice %arg17[%dma_start3A_163, %dma_start3A_169] : memref<5x512xi32, #tpu.memory_space<vmem>> -> memref<1x128xi32, #tpu.memory_space<vmem>>
    %dma_start3A_171 = tpu.memref_squeeze %dma_start3A_170 : memref<1x128xi32, #tpu.memory_space<vmem>> -> memref<128xi32, #tpu.memory_space<vmem>>
    %dma_start3A_172 = arith.constant 0 : i32
    %dma_start3A_173 = arith.constant 0 : i32
    %dma_start3A_174 = tpu.memref_slice %arg3[%dma_start3A_172, %dma_start3A_173] : memref<100000x16xf32, #tpu.memory_space<hbm>> -> memref<100000x16xf32, #tpu.memory_space<hbm>>
    tpu.enqueue_indirect_dma source(%dma_start3A_174 : memref<100000x16xf32, #tpu.memory_space<hbm>>) target(%dma_start3A_168 : memref<128x16xf32, #tpu.memory_space<vmem>>) offsets(%dma_start3A_171 : memref<128xi32, #tpu.memory_space<vmem>>) semaphore(%arg19 : memref<!tpu.dma_semaphore, #tpu.memory_space<semaphore_mem>>)
    %dma_start3A_175 = arith.constant 1 : i32
    %dma_start3A_176 = arith.constant 1 : i32
    %dma_start3A_177 = arith.constant 384 : i32
    %dma_start3A_178 = arith.constant 0 : i32
    %dma_start3A_179 = tpu.memref_slice %arg18[%dma_start3A_176, %dma_start3A_177, %dma_start3A_178] : memref<5x512x16xf32, #tpu.memory_space<vmem>> -> memref<1x128x16xf32, #tpu.memory_space<vmem>>
    %dma_start3A_180 = tpu.memref_squeeze %dma_start3A_179 : memref<1x128x16xf32, #tpu.memory_space<vmem>> -> memref<128x16xf32, #tpu.memory_space<vmem>>
    %dma_start3A_181 = arith.constant 384 : i32
    %dma_start3A_182 = tpu.memref_slice %arg17[%dma_start3A_175, %dma_start3A_181] : memref<5x512xi32, #tpu.memory_space<vmem>> -> memref<1x128xi32, #tpu.memory_space<vmem>>
    %dma_start3A_183 = tpu.memref_squeeze %dma_start3A_182 : memref<1x128xi32, #tpu.memory_space<vmem>> -> memref<128xi32, #tpu.memory_space<vmem>>
    %dma_start3A_184 = arith.constant 0 : i32
    %dma_start3A_185 = arith.constant 0 : i32
    %dma_start3A_186 = tpu.memref_slice %arg3[%dma_start3A_184, %dma_start3A_185] : memref<100000x16xf32, #tpu.memory_space<hbm>> -> memref<100000x16xf32, #tpu.memory_space<hbm>>
    tpu.enqueue_indirect_dma source(%dma_start3A_186 : memref<100000x16xf32, #tpu.memory_space<hbm>>) target(%dma_start3A_180 : memref<128x16xf32, #tpu.memory_space<vmem>>) offsets(%dma_start3A_183 : memref<128xi32, #tpu.memory_space<vmem>>) semaphore(%arg19 : memref<!tpu.dma_semaphore, #tpu.memory_space<semaphore_mem>>)
    %dma_start3A_187 = arith.constant 2 : i32
    %dma_start3A_188 = arith.constant 2 : i32
    %dma_start3A_189 = arith.constant 0 : i32
    %dma_start3A_190 = arith.constant 0 : i32
    %dma_start3A_191 = tpu.memref_slice %arg18[%dma_start3A_188, %dma_start3A_189, %dma_start3A_190] : memref<5x512x16xf32, #tpu.memory_space<vmem>> -> memref<1x128x16xf32, #tpu.memory_space<vmem>>
    %dma_start3A_192 = tpu.memref_squeeze %dma_start3A_191 : memref<1x128x16xf32, #tpu.memory_space<vmem>> -> memref<128x16xf32, #tpu.memory_space<vmem>>
    %dma_start3A_193 = arith.constant 0 : i32
    %dma_start3A_194 = tpu.memref_slice %arg17[%dma_start3A_187, %dma_start3A_193] : memref<5x512xi32, #tpu.memory_space<vmem>> -> memref<1x128xi32, #tpu.memory_space<vmem>>
    %dma_start3A_195 = tpu.memref_squeeze %dma_start3A_194 : memref<1x128xi32, #tpu.memory_space<vmem>> -> memref<128xi32, #tpu.memory_space<vmem>>
    %dma_start3A_196 = arith.constant 0 : i32
    %dma_start3A_197 = arith.constant 0 : i32
    %dma_start3A_198 = tpu.memref_slice %arg4[%dma_start3A_196, %dma_start3A_197] : memref<52x16xf32, #tpu.memory_space<hbm>> -> memref<52x16xf32, #tpu.memory_space<hbm>>
    tpu.enqueue_indirect_dma source(%dma_start3A_198 : memref<52x16xf32, #tpu.memory_space<hbm>>) target(%dma_start3A_192 : memref<128x16xf32, #tpu.memory_space<vmem>>) offsets(%dma_start3A_195 : memref<128xi32, #tpu.memory_space<vmem>>) semaphore(%arg19 : memref<!tpu.dma_semaphore, #tpu.memory_space<semaphore_mem>>)
    %dma_start3A_199 = arith.constant 2 : i32
    %dma_start3A_200 = arith.constant 2 : i32
    %dma_start3A_201 = arith.constant 128 : i32
    %dma_start3A_202 = arith.constant 0 : i32
    %dma_start3A_203 = tpu.memref_slice %arg18[%dma_start3A_200, %dma_start3A_201, %dma_start3A_202] : memref<5x512x16xf32, #tpu.memory_space<vmem>> -> memref<1x128x16xf32, #tpu.memory_space<vmem>>
    %dma_start3A_204 = tpu.memref_squeeze %dma_start3A_203 : memref<1x128x16xf32, #tpu.memory_space<vmem>> -> memref<128x16xf32, #tpu.memory_space<vmem>>
    %dma_start3A_205 = arith.constant 128 : i32
    %dma_start3A_206 = tpu.memref_slice %arg17[%dma_start3A_199, %dma_start3A_205] : memref<5x512xi32, #tpu.memory_space<vmem>> -> memref<1x128xi32, #tpu.memory_space<vmem>>
    %dma_start3A_207 = tpu.memref_squeeze %dma_start3A_206 : memref<1x128xi32, #tpu.memory_space<vmem>> -> memref<128xi32, #tpu.memory_space<vmem>>
    %dma_start3A_208 = arith.constant 0 : i32
    %dma_start3A_209 = arith.constant 0 : i32
    %dma_start3A_210 = tpu.memref_slice %arg4[%dma_start3A_208, %dma_start3A_209] : memref<52x16xf32, #tpu.memory_space<hbm>> -> memref<52x16xf32, #tpu.memory_space<hbm>>
    tpu.enqueue_indirect_dma source(%dma_start3A_210 : memref<52x16xf32, #tpu.memory_space<hbm>>) target(%dma_start3A_204 : memref<128x16xf32, #tpu.memory_space<vmem>>) offsets(%dma_start3A_207 : memref<128xi32, #tpu.memory_space<vmem>>) semaphore(%arg19 : memref<!tpu.dma_semaphore, #tpu.memory_space<semaphore_mem>>)
    %dma_start3A_211 = arith.constant 2 : i32
    %dma_start3A_212 = arith.constant 2 : i32
    %dma_start3A_213 = arith.constant 256 : i32
    %dma_start3A_214 = arith.constant 0 : i32
    %dma_start3A_215 = tpu.memref_slice %arg18[%dma_start3A_212, %dma_start3A_213, %dma_start3A_214] : memref<5x512x16xf32, #tpu.memory_space<vmem>> -> memref<1x128x16xf32, #tpu.memory_space<vmem>>
    %dma_start3A_216 = tpu.memref_squeeze %dma_start3A_215 : memref<1x128x16xf32, #tpu.memory_space<vmem>> -> memref<128x16xf32, #tpu.memory_space<vmem>>
    %dma_start3A_217 = arith.constant 256 : i32
    %dma_start3A_218 = tpu.memref_slice %arg17[%dma_start3A_211, %dma_start3A_217] : memref<5x512xi32, #tpu.memory_space<vmem>> -> memref<1x128xi32, #tpu.memory_space<vmem>>
    %dma_start3A_219 = tpu.memref_squeeze %dma_start3A_218 : memref<1x128xi32, #tpu.memory_space<vmem>> -> memref<128xi32, #tpu.memory_space<vmem>>
    %dma_start3A_220 = arith.constant 0 : i32
    %dma_start3A_221 = arith.constant 0 : i32
    %dma_start3A_222 = tpu.memref_slice %arg4[%dma_start3A_220, %dma_start3A_221] : memref<52x16xf32, #tpu.memory_space<hbm>> -> memref<52x16xf32, #tpu.memory_space<hbm>>
    tpu.enqueue_indirect_dma source(%dma_start3A_222 : memref<52x16xf32, #tpu.memory_space<hbm>>) target(%dma_start3A_216 : memref<128x16xf32, #tpu.memory_space<vmem>>) offsets(%dma_start3A_219 : memref<128xi32, #tpu.memory_space<vmem>>) semaphore(%arg19 : memref<!tpu.dma_semaphore, #tpu.memory_space<semaphore_mem>>)
    %dma_start3A_223 = arith.constant 2 : i32
    %dma_start3A_224 = arith.constant 2 : i32
    %dma_start3A_225 = arith.constant 384 : i32
    %dma_start3A_226 = arith.constant 0 : i32
    %dma_start3A_227 = tpu.memref_slice %arg18[%dma_start3A_224, %dma_start3A_225, %dma_start3A_226] : memref<5x512x16xf32, #tpu.memory_space<vmem>> -> memref<1x128x16xf32, #tpu.memory_space<vmem>>
    %dma_start3A_228 = tpu.memref_squeeze %dma_start3A_227 : memref<1x128x16xf32, #tpu.memory_space<vmem>> -> memref<128x16xf32, #tpu.memory_space<vmem>>
    %dma_start3A_229 = arith.constant 384 : i32
    %dma_start3A_230 = tpu.memref_slice %arg17[%dma_start3A_223, %dma_start3A_229] : memref<5x512xi32, #tpu.memory_space<vmem>> -> memref<1x128xi32, #tpu.memory_space<vmem>>
    %dma_start3A_231 = tpu.memref_squeeze %dma_start3A_230 : memref<1x128xi32, #tpu.memory_space<vmem>> -> memref<128xi32, #tpu.memory_space<vmem>>
    %dma_start3A_232 = arith.constant 0 : i32
    %dma_start3A_233 = arith.constant 0 : i32
    %dma_start3A_234 = tpu.memref_slice %arg4[%dma_start3A_232, %dma_start3A_233] : memref<52x16xf32, #tpu.memory_space<hbm>> -> memref<52x16xf32, #tpu.memory_space<hbm>>
    tpu.enqueue_indirect_dma source(%dma_start3A_234 : memref<52x16xf32, #tpu.memory_space<hbm>>) target(%dma_start3A_228 : memref<128x16xf32, #tpu.memory_space<vmem>>) offsets(%dma_start3A_231 : memref<128xi32, #tpu.memory_space<vmem>>) semaphore(%arg19 : memref<!tpu.dma_semaphore, #tpu.memory_space<semaphore_mem>>)
    %dma_start3A_235 = arith.constant 3 : i32
    %dma_start3A_236 = arith.constant 3 : i32
    %dma_start3A_237 = arith.constant 0 : i32
    %dma_start3A_238 = arith.constant 0 : i32
    %dma_start3A_239 = tpu.memref_slice %arg18[%dma_start3A_236, %dma_start3A_237, %dma_start3A_238] : memref<5x512x16xf32, #tpu.memory_space<vmem>> -> memref<1x128x16xf32, #tpu.memory_space<vmem>>
    %dma_start3A_240 = tpu.memref_squeeze %dma_start3A_239 : memref<1x128x16xf32, #tpu.memory_space<vmem>> -> memref<128x16xf32, #tpu.memory_space<vmem>>
    %dma_start3A_241 = arith.constant 0 : i32
    %dma_start3A_242 = tpu.memref_slice %arg17[%dma_start3A_235, %dma_start3A_241] : memref<5x512xi32, #tpu.memory_space<vmem>> -> memref<1x128xi32, #tpu.memory_space<vmem>>
    %dma_start3A_243 = tpu.memref_squeeze %dma_start3A_242 : memref<1x128xi32, #tpu.memory_space<vmem>> -> memref<128xi32, #tpu.memory_space<vmem>>
    %dma_start3A_244 = arith.constant 0 : i32
    %dma_start3A_245 = arith.constant 0 : i32
    %dma_start3A_246 = tpu.memref_slice %arg5[%dma_start3A_244, %dma_start3A_245] : memref<7x16xf32, #tpu.memory_space<hbm>> -> memref<7x16xf32, #tpu.memory_space<hbm>>
    tpu.enqueue_indirect_dma source(%dma_start3A_246 : memref<7x16xf32, #tpu.memory_space<hbm>>) target(%dma_start3A_240 : memref<128x16xf32, #tpu.memory_space<vmem>>) offsets(%dma_start3A_243 : memref<128xi32, #tpu.memory_space<vmem>>) semaphore(%arg19 : memref<!tpu.dma_semaphore, #tpu.memory_space<semaphore_mem>>)
    %dma_start3A_247 = arith.constant 3 : i32
    %dma_start3A_248 = arith.constant 3 : i32
    %dma_start3A_249 = arith.constant 128 : i32
    %dma_start3A_250 = arith.constant 0 : i32
    %dma_start3A_251 = tpu.memref_slice %arg18[%dma_start3A_248, %dma_start3A_249, %dma_start3A_250] : memref<5x512x16xf32, #tpu.memory_space<vmem>> -> memref<1x128x16xf32, #tpu.memory_space<vmem>>
    %dma_start3A_252 = tpu.memref_squeeze %dma_start3A_251 : memref<1x128x16xf32, #tpu.memory_space<vmem>> -> memref<128x16xf32, #tpu.memory_space<vmem>>
    %dma_start3A_253 = arith.constant 128 : i32
    %dma_start3A_254 = tpu.memref_slice %arg17[%dma_start3A_247, %dma_start3A_253] : memref<5x512xi32, #tpu.memory_space<vmem>> -> memref<1x128xi32, #tpu.memory_space<vmem>>
    %dma_start3A_255 = tpu.memref_squeeze %dma_start3A_254 : memref<1x128xi32, #tpu.memory_space<vmem>> -> memref<128xi32, #tpu.memory_space<vmem>>
    %dma_start3A_256 = arith.constant 0 : i32
    %dma_start3A_257 = arith.constant 0 : i32
    %dma_start3A_258 = tpu.memref_slice %arg5[%dma_start3A_256, %dma_start3A_257] : memref<7x16xf32, #tpu.memory_space<hbm>> -> memref<7x16xf32, #tpu.memory_space<hbm>>
    tpu.enqueue_indirect_dma source(%dma_start3A_258 : memref<7x16xf32, #tpu.memory_space<hbm>>) target(%dma_start3A_252 : memref<128x16xf32, #tpu.memory_space<vmem>>) offsets(%dma_start3A_255 : memref<128xi32, #tpu.memory_space<vmem>>) semaphore(%arg19 : memref<!tpu.dma_semaphore, #tpu.memory_space<semaphore_mem>>)
    %dma_start3A_259 = arith.constant 3 : i32
    %dma_start3A_260 = arith.constant 3 : i32
    %dma_start3A_261 = arith.constant 256 : i32
    %dma_start3A_262 = arith.constant 0 : i32
    %dma_start3A_263 = tpu.memref_slice %arg18[%dma_start3A_260, %dma_start3A_261, %dma_start3A_262] : memref<5x512x16xf32, #tpu.memory_space<vmem>> -> memref<1x128x16xf32, #tpu.memory_space<vmem>>
    %dma_start3A_264 = tpu.memref_squeeze %dma_start3A_263 : memref<1x128x16xf32, #tpu.memory_space<vmem>> -> memref<128x16xf32, #tpu.memory_space<vmem>>
    %dma_start3A_265 = arith.constant 256 : i32
    %dma_start3A_266 = tpu.memref_slice %arg17[%dma_start3A_259, %dma_start3A_265] : memref<5x512xi32, #tpu.memory_space<vmem>> -> memref<1x128xi32, #tpu.memory_space<vmem>>
    %dma_start3A_267 = tpu.memref_squeeze %dma_start3A_266 : memref<1x128xi32, #tpu.memory_space<vmem>> -> memref<128xi32, #tpu.memory_space<vmem>>
    %dma_start3A_268 = arith.constant 0 : i32
    %dma_start3A_269 = arith.constant 0 : i32
    %dma_start3A_270 = tpu.memref_slice %arg5[%dma_start3A_268, %dma_start3A_269] : memref<7x16xf32, #tpu.memory_space<hbm>> -> memref<7x16xf32, #tpu.memory_space<hbm>>
    tpu.enqueue_indirect_dma source(%dma_start3A_270 : memref<7x16xf32, #tpu.memory_space<hbm>>) target(%dma_start3A_264 : memref<128x16xf32, #tpu.memory_space<vmem>>) offsets(%dma_start3A_267 : memref<128xi32, #tpu.memory_space<vmem>>) semaphore(%arg19 : memref<!tpu.dma_semaphore, #tpu.memory_space<semaphore_mem>>)
    %dma_start3A_271 = arith.constant 3 : i32
    %dma_start3A_272 = arith.constant 3 : i32
    %dma_start3A_273 = arith.constant 384 : i32
    %dma_start3A_274 = arith.constant 0 : i32
    %dma_start3A_275 = tpu.memref_slice %arg18[%dma_start3A_272, %dma_start3A_273, %dma_start3A_274] : memref<5x512x16xf32, #tpu.memory_space<vmem>> -> memref<1x128x16xf32, #tpu.memory_space<vmem>>
    %dma_start3A_276 = tpu.memref_squeeze %dma_start3A_275 : memref<1x128x16xf32, #tpu.memory_space<vmem>> -> memref<128x16xf32, #tpu.memory_space<vmem>>
    %dma_start3A_277 = arith.constant 384 : i32
    %dma_start3A_278 = tpu.memref_slice %arg17[%dma_start3A_271, %dma_start3A_277] : memref<5x512xi32, #tpu.memory_space<vmem>> -> memref<1x128xi32, #tpu.memory_space<vmem>>
    %dma_start3A_279 = tpu.memref_squeeze %dma_start3A_278 : memref<1x128xi32, #tpu.memory_space<vmem>> -> memref<128xi32, #tpu.memory_space<vmem>>
    %dma_start3A_280 = arith.constant 0 : i32
    %dma_start3A_281 = arith.constant 0 : i32
    %dma_start3A_282 = tpu.memref_slice %arg5[%dma_start3A_280, %dma_start3A_281] : memref<7x16xf32, #tpu.memory_space<hbm>> -> memref<7x16xf32, #tpu.memory_space<hbm>>
    tpu.enqueue_indirect_dma source(%dma_start3A_282 : memref<7x16xf32, #tpu.memory_space<hbm>>) target(%dma_start3A_276 : memref<128x16xf32, #tpu.memory_space<vmem>>) offsets(%dma_start3A_279 : memref<128xi32, #tpu.memory_space<vmem>>) semaphore(%arg19 : memref<!tpu.dma_semaphore, #tpu.memory_space<semaphore_mem>>)
    %dma_start3A_283 = arith.constant 4 : i32
    %dma_start3A_284 = arith.constant 4 : i32
    %dma_start3A_285 = arith.constant 0 : i32
    %dma_start3A_286 = arith.constant 0 : i32
    %dma_start3A_287 = tpu.memref_slice %arg18[%dma_start3A_284, %dma_start3A_285, %dma_start3A_286] : memref<5x512x16xf32, #tpu.memory_space<vmem>> -> memref<1x128x16xf32, #tpu.memory_space<vmem>>
    %dma_start3A_288 = tpu.memref_squeeze %dma_start3A_287 : memref<1x128x16xf32, #tpu.memory_space<vmem>> -> memref<128x16xf32, #tpu.memory_space<vmem>>
    %dma_start3A_289 = arith.constant 0 : i32
    %dma_start3A_290 = tpu.memref_slice %arg17[%dma_start3A_283, %dma_start3A_289] : memref<5x512xi32, #tpu.memory_space<vmem>> -> memref<1x128xi32, #tpu.memory_space<vmem>>
    %dma_start3A_291 = tpu.memref_squeeze %dma_start3A_290 : memref<1x128xi32, #tpu.memory_space<vmem>> -> memref<128xi32, #tpu.memory_space<vmem>>
    %dma_start3A_292 = arith.constant 0 : i32
    %dma_start3A_293 = arith.constant 0 : i32
    %dma_start3A_294 = tpu.memref_slice %arg6[%dma_start3A_292, %dma_start3A_293] : memref<96x16xf32, #tpu.memory_space<hbm>> -> memref<96x16xf32, #tpu.memory_space<hbm>>
    tpu.enqueue_indirect_dma source(%dma_start3A_294 : memref<96x16xf32, #tpu.memory_space<hbm>>) target(%dma_start3A_288 : memref<128x16xf32, #tpu.memory_space<vmem>>) offsets(%dma_start3A_291 : memref<128xi32, #tpu.memory_space<vmem>>) semaphore(%arg19 : memref<!tpu.dma_semaphore, #tpu.memory_space<semaphore_mem>>)
    %dma_start3A_295 = arith.constant 4 : i32
    %dma_start3A_296 = arith.constant 4 : i32
    %dma_start3A_297 = arith.constant 128 : i32
    %dma_start3A_298 = arith.constant 0 : i32
    %dma_start3A_299 = tpu.memref_slice %arg18[%dma_start3A_296, %dma_start3A_297, %dma_start3A_298] : memref<5x512x16xf32, #tpu.memory_space<vmem>> -> memref<1x128x16xf32, #tpu.memory_space<vmem>>
    %dma_start3A_300 = tpu.memref_squeeze %dma_start3A_299 : memref<1x128x16xf32, #tpu.memory_space<vmem>> -> memref<128x16xf32, #tpu.memory_space<vmem>>
    %dma_start3A_301 = arith.constant 128 : i32
    %dma_start3A_302 = tpu.memref_slice %arg17[%dma_start3A_295, %dma_start3A_301] : memref<5x512xi32, #tpu.memory_space<vmem>> -> memref<1x128xi32, #tpu.memory_space<vmem>>
    %dma_start3A_303 = tpu.memref_squeeze %dma_start3A_302 : memref<1x128xi32, #tpu.memory_space<vmem>> -> memref<128xi32, #tpu.memory_space<vmem>>
    %dma_start3A_304 = arith.constant 0 : i32
    %dma_start3A_305 = arith.constant 0 : i32
    %dma_start3A_306 = tpu.memref_slice %arg6[%dma_start3A_304, %dma_start3A_305] : memref<96x16xf32, #tpu.memory_space<hbm>> -> memref<96x16xf32, #tpu.memory_space<hbm>>
    tpu.enqueue_indirect_dma source(%dma_start3A_306 : memref<96x16xf32, #tpu.memory_space<hbm>>) target(%dma_start3A_300 : memref<128x16xf32, #tpu.memory_space<vmem>>) offsets(%dma_start3A_303 : memref<128xi32, #tpu.memory_space<vmem>>) semaphore(%arg19 : memref<!tpu.dma_semaphore, #tpu.memory_space<semaphore_mem>>)
    %dma_start3A_307 = arith.constant 4 : i32
    %dma_start3A_308 = arith.constant 4 : i32
    %dma_start3A_309 = arith.constant 256 : i32
    %dma_start3A_310 = arith.constant 0 : i32
    %dma_start3A_311 = tpu.memref_slice %arg18[%dma_start3A_308, %dma_start3A_309, %dma_start3A_310] : memref<5x512x16xf32, #tpu.memory_space<vmem>> -> memref<1x128x16xf32, #tpu.memory_space<vmem>>
    %dma_start3A_312 = tpu.memref_squeeze %dma_start3A_311 : memref<1x128x16xf32, #tpu.memory_space<vmem>> -> memref<128x16xf32, #tpu.memory_space<vmem>>
    %dma_start3A_313 = arith.constant 256 : i32
    %dma_start3A_314 = tpu.memref_slice %arg17[%dma_start3A_307, %dma_start3A_313] : memref<5x512xi32, #tpu.memory_space<vmem>> -> memref<1x128xi32, #tpu.memory_space<vmem>>
    %dma_start3A_315 = tpu.memref_squeeze %dma_start3A_314 : memref<1x128xi32, #tpu.memory_space<vmem>> -> memref<128xi32, #tpu.memory_space<vmem>>
    %dma_start3A_316 = arith.constant 0 : i32
    %dma_start3A_317 = arith.constant 0 : i32
    %dma_start3A_318 = tpu.memref_slice %arg6[%dma_start3A_316, %dma_start3A_317] : memref<96x16xf32, #tpu.memory_space<hbm>> -> memref<96x16xf32, #tpu.memory_space<hbm>>
    tpu.enqueue_indirect_dma source(%dma_start3A_318 : memref<96x16xf32, #tpu.memory_space<hbm>>) target(%dma_start3A_312 : memref<128x16xf32, #tpu.memory_space<vmem>>) offsets(%dma_start3A_315 : memref<128xi32, #tpu.memory_space<vmem>>) semaphore(%arg19 : memref<!tpu.dma_semaphore, #tpu.memory_space<semaphore_mem>>)
    %dma_start3A_319 = arith.constant 4 : i32
    %dma_start3A_320 = arith.constant 4 : i32
    %dma_start3A_321 = arith.constant 384 : i32
    %dma_start3A_322 = arith.constant 0 : i32
    %dma_start3A_323 = tpu.memref_slice %arg18[%dma_start3A_320, %dma_start3A_321, %dma_start3A_322] : memref<5x512x16xf32, #tpu.memory_space<vmem>> -> memref<1x128x16xf32, #tpu.memory_space<vmem>>
    %dma_start3A_324 = tpu.memref_squeeze %dma_start3A_323 : memref<1x128x16xf32, #tpu.memory_space<vmem>> -> memref<128x16xf32, #tpu.memory_space<vmem>>
    %dma_start3A_325 = arith.constant 384 : i32
    %dma_start3A_326 = tpu.memref_slice %arg17[%dma_start3A_319, %dma_start3A_325] : memref<5x512xi32, #tpu.memory_space<vmem>> -> memref<1x128xi32, #tpu.memory_space<vmem>>
    %dma_start3A_327 = tpu.memref_squeeze %dma_start3A_326 : memref<1x128xi32, #tpu.memory_space<vmem>> -> memref<128xi32, #tpu.memory_space<vmem>>
    %dma_start3A_328 = arith.constant 0 : i32
    %dma_start3A_329 = arith.constant 0 : i32
    %dma_start3A_330 = tpu.memref_slice %arg6[%dma_start3A_328, %dma_start3A_329] : memref<96x16xf32, #tpu.memory_space<hbm>> -> memref<96x16xf32, #tpu.memory_space<hbm>>
    tpu.enqueue_indirect_dma source(%dma_start3A_330 : memref<96x16xf32, #tpu.memory_space<hbm>>) target(%dma_start3A_324 : memref<128x16xf32, #tpu.memory_space<vmem>>) offsets(%dma_start3A_327 : memref<128xi32, #tpu.memory_space<vmem>>) semaphore(%arg19 : memref<!tpu.dma_semaphore, #tpu.memory_space<semaphore_mem>>)
    %dma_wait3A_331 = arith.constant 0 : i32
    %dma_wait3A_332 = arith.constant 0 : i32
    %dma_wait3A_333 = arith.constant 0 : i32
    %dma_wait3A_334 = arith.constant 0 : i32
    %dma_wait3A_335 = tpu.memref_slice %arg18[%dma_wait3A_332, %dma_wait3A_333, %dma_wait3A_334] : memref<5x512x16xf32, #tpu.memory_space<vmem>> -> memref<1x128x16xf32, #tpu.memory_space<vmem>>
    %dma_wait3A_336 = tpu.memref_squeeze %dma_wait3A_335 : memref<1x128x16xf32, #tpu.memory_space<vmem>> -> memref<128x16xf32, #tpu.memory_space<vmem>>
    %dma_wait3A_337 = arith.constant 0 : i32
    %dma_wait3A_338 = tpu.memref_slice %arg17[%dma_wait3A_331, %dma_wait3A_337] : memref<5x512xi32, #tpu.memory_space<vmem>> -> memref<1x128xi32, #tpu.memory_space<vmem>>
    %dma_wait3A_339 = tpu.memref_squeeze %dma_wait3A_338 : memref<1x128xi32, #tpu.memory_space<vmem>> -> memref<128xi32, #tpu.memory_space<vmem>>
    %dma_wait3A_340 = arith.constant 0 : i32
    %dma_wait3A_341 = arith.constant 0 : i32
    %dma_wait3A_342 = tpu.memref_slice %arg2[%dma_wait3A_340, %dma_wait3A_341] : memref<1000x16xf32, #tpu.memory_space<hbm>> -> memref<1000x16xf32, #tpu.memory_space<hbm>>
    tpu.wait_indirect_dma semaphore(%arg19 : memref<!tpu.dma_semaphore, #tpu.memory_space<semaphore_mem>>) src(%dma_wait3A_342 : memref<1000x16xf32, #tpu.memory_space<hbm>>) dst(%dma_wait3A_336 : memref<128x16xf32, #tpu.memory_space<vmem>>)
    %dma_wait3A_343 = arith.constant 0 : i32
    %dma_wait3A_344 = arith.constant 0 : i32
    %dma_wait3A_345 = arith.constant 128 : i32
    %dma_wait3A_346 = arith.constant 0 : i32
    %dma_wait3A_347 = tpu.memref_slice %arg18[%dma_wait3A_344, %dma_wait3A_345, %dma_wait3A_346] : memref<5x512x16xf32, #tpu.memory_space<vmem>> -> memref<1x128x16xf32, #tpu.memory_space<vmem>>
    %dma_wait3A_348 = tpu.memref_squeeze %dma_wait3A_347 : memref<1x128x16xf32, #tpu.memory_space<vmem>> -> memref<128x16xf32, #tpu.memory_space<vmem>>
    %dma_wait3A_349 = arith.constant 128 : i32
    %dma_wait3A_350 = tpu.memref_slice %arg17[%dma_wait3A_343, %dma_wait3A_349] : memref<5x512xi32, #tpu.memory_space<vmem>> -> memref<1x128xi32, #tpu.memory_space<vmem>>
    %dma_wait3A_351 = tpu.memref_squeeze %dma_wait3A_350 : memref<1x128xi32, #tpu.memory_space<vmem>> -> memref<128xi32, #tpu.memory_space<vmem>>
    %dma_wait3A_352 = arith.constant 0 : i32
    %dma_wait3A_353 = arith.constant 0 : i32
    %dma_wait3A_354 = tpu.memref_slice %arg2[%dma_wait3A_352, %dma_wait3A_353] : memref<1000x16xf32, #tpu.memory_space<hbm>> -> memref<1000x16xf32, #tpu.memory_space<hbm>>
    tpu.wait_indirect_dma semaphore(%arg19 : memref<!tpu.dma_semaphore, #tpu.memory_space<semaphore_mem>>) src(%dma_wait3A_354 : memref<1000x16xf32, #tpu.memory_space<hbm>>) dst(%dma_wait3A_348 : memref<128x16xf32, #tpu.memory_space<vmem>>)
    %dma_wait3A_355 = arith.constant 0 : i32
    %dma_wait3A_356 = arith.constant 0 : i32
    %dma_wait3A_357 = arith.constant 256 : i32
    %dma_wait3A_358 = arith.constant 0 : i32
    %dma_wait3A_359 = tpu.memref_slice %arg18[%dma_wait3A_356, %dma_wait3A_357, %dma_wait3A_358] : memref<5x512x16xf32, #tpu.memory_space<vmem>> -> memref<1x128x16xf32, #tpu.memory_space<vmem>>
    %dma_wait3A_360 = tpu.memref_squeeze %dma_wait3A_359 : memref<1x128x16xf32, #tpu.memory_space<vmem>> -> memref<128x16xf32, #tpu.memory_space<vmem>>
    %dma_wait3A_361 = arith.constant 256 : i32
    %dma_wait3A_362 = tpu.memref_slice %arg17[%dma_wait3A_355, %dma_wait3A_361] : memref<5x512xi32, #tpu.memory_space<vmem>> -> memref<1x128xi32, #tpu.memory_space<vmem>>
    %dma_wait3A_363 = tpu.memref_squeeze %dma_wait3A_362 : memref<1x128xi32, #tpu.memory_space<vmem>> -> memref<128xi32, #tpu.memory_space<vmem>>
    %dma_wait3A_364 = arith.constant 0 : i32
    %dma_wait3A_365 = arith.constant 0 : i32
    %dma_wait3A_366 = tpu.memref_slice %arg2[%dma_wait3A_364, %dma_wait3A_365] : memref<1000x16xf32, #tpu.memory_space<hbm>> -> memref<1000x16xf32, #tpu.memory_space<hbm>>
    tpu.wait_indirect_dma semaphore(%arg19 : memref<!tpu.dma_semaphore, #tpu.memory_space<semaphore_mem>>) src(%dma_wait3A_366 : memref<1000x16xf32, #tpu.memory_space<hbm>>) dst(%dma_wait3A_360 : memref<128x16xf32, #tpu.memory_space<vmem>>)
    %dma_wait3A_367 = arith.constant 0 : i32
    %dma_wait3A_368 = arith.constant 0 : i32
    %dma_wait3A_369 = arith.constant 384 : i32
    %dma_wait3A_370 = arith.constant 0 : i32
    %dma_wait3A_371 = tpu.memref_slice %arg18[%dma_wait3A_368, %dma_wait3A_369, %dma_wait3A_370] : memref<5x512x16xf32, #tpu.memory_space<vmem>> -> memref<1x128x16xf32, #tpu.memory_space<vmem>>
    %dma_wait3A_372 = tpu.memref_squeeze %dma_wait3A_371 : memref<1x128x16xf32, #tpu.memory_space<vmem>> -> memref<128x16xf32, #tpu.memory_space<vmem>>
    %dma_wait3A_373 = arith.constant 384 : i32
    %dma_wait3A_374 = tpu.memref_slice %arg17[%dma_wait3A_367, %dma_wait3A_373] : memref<5x512xi32, #tpu.memory_space<vmem>> -> memref<1x128xi32, #tpu.memory_space<vmem>>
    %dma_wait3A_375 = tpu.memref_squeeze %dma_wait3A_374 : memref<1x128xi32, #tpu.memory_space<vmem>> -> memref<128xi32, #tpu.memory_space<vmem>>
    %dma_wait3A_376 = arith.constant 0 : i32
    %dma_wait3A_377 = arith.constant 0 : i32
    %dma_wait3A_378 = tpu.memref_slice %arg2[%dma_wait3A_376, %dma_wait3A_377] : memref<1000x16xf32, #tpu.memory_space<hbm>> -> memref<1000x16xf32, #tpu.memory_space<hbm>>
    tpu.wait_indirect_dma semaphore(%arg19 : memref<!tpu.dma_semaphore, #tpu.memory_space<semaphore_mem>>) src(%dma_wait3A_378 : memref<1000x16xf32, #tpu.memory_space<hbm>>) dst(%dma_wait3A_372 : memref<128x16xf32, #tpu.memory_space<vmem>>)
    %dma_wait3A_379 = arith.constant 1 : i32
    %dma_wait3A_380 = arith.constant 1 : i32
    %dma_wait3A_381 = arith.constant 0 : i32
    %dma_wait3A_382 = arith.constant 0 : i32
    %dma_wait3A_383 = tpu.memref_slice %arg18[%dma_wait3A_380, %dma_wait3A_381, %dma_wait3A_382] : memref<5x512x16xf32, #tpu.memory_space<vmem>> -> memref<1x128x16xf32, #tpu.memory_space<vmem>>
    %dma_wait3A_384 = tpu.memref_squeeze %dma_wait3A_383 : memref<1x128x16xf32, #tpu.memory_space<vmem>> -> memref<128x16xf32, #tpu.memory_space<vmem>>
    %dma_wait3A_385 = arith.constant 0 : i32
    %dma_wait3A_386 = tpu.memref_slice %arg17[%dma_wait3A_379, %dma_wait3A_385] : memref<5x512xi32, #tpu.memory_space<vmem>> -> memref<1x128xi32, #tpu.memory_space<vmem>>
    %dma_wait3A_387 = tpu.memref_squeeze %dma_wait3A_386 : memref<1x128xi32, #tpu.memory_space<vmem>> -> memref<128xi32, #tpu.memory_space<vmem>>
    %dma_wait3A_388 = arith.constant 0 : i32
    %dma_wait3A_389 = arith.constant 0 : i32
    %dma_wait3A_390 = tpu.memref_slice %arg3[%dma_wait3A_388, %dma_wait3A_389] : memref<100000x16xf32, #tpu.memory_space<hbm>> -> memref<100000x16xf32, #tpu.memory_space<hbm>>
    tpu.wait_indirect_dma semaphore(%arg19 : memref<!tpu.dma_semaphore, #tpu.memory_space<semaphore_mem>>) src(%dma_wait3A_390 : memref<100000x16xf32, #tpu.memory_space<hbm>>) dst(%dma_wait3A_384 : memref<128x16xf32, #tpu.memory_space<vmem>>)
    %dma_wait3A_391 = arith.constant 1 : i32
    %dma_wait3A_392 = arith.constant 1 : i32
    %dma_wait3A_393 = arith.constant 128 : i32
    %dma_wait3A_394 = arith.constant 0 : i32
    %dma_wait3A_395 = tpu.memref_slice %arg18[%dma_wait3A_392, %dma_wait3A_393, %dma_wait3A_394] : memref<5x512x16xf32, #tpu.memory_space<vmem>> -> memref<1x128x16xf32, #tpu.memory_space<vmem>>
    %dma_wait3A_396 = tpu.memref_squeeze %dma_wait3A_395 : memref<1x128x16xf32, #tpu.memory_space<vmem>> -> memref<128x16xf32, #tpu.memory_space<vmem>>
    %dma_wait3A_397 = arith.constant 128 : i32
    %dma_wait3A_398 = tpu.memref_slice %arg17[%dma_wait3A_391, %dma_wait3A_397] : memref<5x512xi32, #tpu.memory_space<vmem>> -> memref<1x128xi32, #tpu.memory_space<vmem>>
    %dma_wait3A_399 = tpu.memref_squeeze %dma_wait3A_398 : memref<1x128xi32, #tpu.memory_space<vmem>> -> memref<128xi32, #tpu.memory_space<vmem>>
    %dma_wait3A_400 = arith.constant 0 : i32
    %dma_wait3A_401 = arith.constant 0 : i32
    %dma_wait3A_402 = tpu.memref_slice %arg3[%dma_wait3A_400, %dma_wait3A_401] : memref<100000x16xf32, #tpu.memory_space<hbm>> -> memref<100000x16xf32, #tpu.memory_space<hbm>>
    tpu.wait_indirect_dma semaphore(%arg19 : memref<!tpu.dma_semaphore, #tpu.memory_space<semaphore_mem>>) src(%dma_wait3A_402 : memref<100000x16xf32, #tpu.memory_space<hbm>>) dst(%dma_wait3A_396 : memref<128x16xf32, #tpu.memory_space<vmem>>)
    %dma_wait3A_403 = arith.constant 1 : i32
    %dma_wait3A_404 = arith.constant 1 : i32
    %dma_wait3A_405 = arith.constant 256 : i32
    %dma_wait3A_406 = arith.constant 0 : i32
    %dma_wait3A_407 = tpu.memref_slice %arg18[%dma_wait3A_404, %dma_wait3A_405, %dma_wait3A_406] : memref<5x512x16xf32, #tpu.memory_space<vmem>> -> memref<1x128x16xf32, #tpu.memory_space<vmem>>
    %dma_wait3A_408 = tpu.memref_squeeze %dma_wait3A_407 : memref<1x128x16xf32, #tpu.memory_space<vmem>> -> memref<128x16xf32, #tpu.memory_space<vmem>>
    %dma_wait3A_409 = arith.constant 256 : i32
    %dma_wait3A_410 = tpu.memref_slice %arg17[%dma_wait3A_403, %dma_wait3A_409] : memref<5x512xi32, #tpu.memory_space<vmem>> -> memref<1x128xi32, #tpu.memory_space<vmem>>
    %dma_wait3A_411 = tpu.memref_squeeze %dma_wait3A_410 : memref<1x128xi32, #tpu.memory_space<vmem>> -> memref<128xi32, #tpu.memory_space<vmem>>
    %dma_wait3A_412 = arith.constant 0 : i32
    %dma_wait3A_413 = arith.constant 0 : i32
    %dma_wait3A_414 = tpu.memref_slice %arg3[%dma_wait3A_412, %dma_wait3A_413] : memref<100000x16xf32, #tpu.memory_space<hbm>> -> memref<100000x16xf32, #tpu.memory_space<hbm>>
    tpu.wait_indirect_dma semaphore(%arg19 : memref<!tpu.dma_semaphore, #tpu.memory_space<semaphore_mem>>) src(%dma_wait3A_414 : memref<100000x16xf32, #tpu.memory_space<hbm>>) dst(%dma_wait3A_408 : memref<128x16xf32, #tpu.memory_space<vmem>>)
    %dma_wait3A_415 = arith.constant 1 : i32
    %dma_wait3A_416 = arith.constant 1 : i32
    %dma_wait3A_417 = arith.constant 384 : i32
    %dma_wait3A_418 = arith.constant 0 : i32
    %dma_wait3A_419 = tpu.memref_slice %arg18[%dma_wait3A_416, %dma_wait3A_417, %dma_wait3A_418] : memref<5x512x16xf32, #tpu.memory_space<vmem>> -> memref<1x128x16xf32, #tpu.memory_space<vmem>>
    %dma_wait3A_420 = tpu.memref_squeeze %dma_wait3A_419 : memref<1x128x16xf32, #tpu.memory_space<vmem>> -> memref<128x16xf32, #tpu.memory_space<vmem>>
    %dma_wait3A_421 = arith.constant 384 : i32
    %dma_wait3A_422 = tpu.memref_slice %arg17[%dma_wait3A_415, %dma_wait3A_421] : memref<5x512xi32, #tpu.memory_space<vmem>> -> memref<1x128xi32, #tpu.memory_space<vmem>>
    %dma_wait3A_423 = tpu.memref_squeeze %dma_wait3A_422 : memref<1x128xi32, #tpu.memory_space<vmem>> -> memref<128xi32, #tpu.memory_space<vmem>>
    %dma_wait3A_424 = arith.constant 0 : i32
    %dma_wait3A_425 = arith.constant 0 : i32
    %dma_wait3A_426 = tpu.memref_slice %arg3[%dma_wait3A_424, %dma_wait3A_425] : memref<100000x16xf32, #tpu.memory_space<hbm>> -> memref<100000x16xf32, #tpu.memory_space<hbm>>
    tpu.wait_indirect_dma semaphore(%arg19 : memref<!tpu.dma_semaphore, #tpu.memory_space<semaphore_mem>>) src(%dma_wait3A_426 : memref<100000x16xf32, #tpu.memory_space<hbm>>) dst(%dma_wait3A_420 : memref<128x16xf32, #tpu.memory_space<vmem>>)
    %dma_wait3A_427 = arith.constant 2 : i32
    %dma_wait3A_428 = arith.constant 2 : i32
    %dma_wait3A_429 = arith.constant 0 : i32
    %dma_wait3A_430 = arith.constant 0 : i32
    %dma_wait3A_431 = tpu.memref_slice %arg18[%dma_wait3A_428, %dma_wait3A_429, %dma_wait3A_430] : memref<5x512x16xf32, #tpu.memory_space<vmem>> -> memref<1x128x16xf32, #tpu.memory_space<vmem>>
    %dma_wait3A_432 = tpu.memref_squeeze %dma_wait3A_431 : memref<1x128x16xf32, #tpu.memory_space<vmem>> -> memref<128x16xf32, #tpu.memory_space<vmem>>
    %dma_wait3A_433 = arith.constant 0 : i32
    %dma_wait3A_434 = tpu.memref_slice %arg17[%dma_wait3A_427, %dma_wait3A_433] : memref<5x512xi32, #tpu.memory_space<vmem>> -> memref<1x128xi32, #tpu.memory_space<vmem>>
    %dma_wait3A_435 = tpu.memref_squeeze %dma_wait3A_434 : memref<1x128xi32, #tpu.memory_space<vmem>> -> memref<128xi32, #tpu.memory_space<vmem>>
    %dma_wait3A_436 = arith.constant 0 : i32
    %dma_wait3A_437 = arith.constant 0 : i32
    %dma_wait3A_438 = tpu.memref_slice %arg4[%dma_wait3A_436, %dma_wait3A_437] : memref<52x16xf32, #tpu.memory_space<hbm>> -> memref<52x16xf32, #tpu.memory_space<hbm>>
    tpu.wait_indirect_dma semaphore(%arg19 : memref<!tpu.dma_semaphore, #tpu.memory_space<semaphore_mem>>) src(%dma_wait3A_438 : memref<52x16xf32, #tpu.memory_space<hbm>>) dst(%dma_wait3A_432 : memref<128x16xf32, #tpu.memory_space<vmem>>)
    %dma_wait3A_439 = arith.constant 2 : i32
    %dma_wait3A_440 = arith.constant 2 : i32
    %dma_wait3A_441 = arith.constant 128 : i32
    %dma_wait3A_442 = arith.constant 0 : i32
    %dma_wait3A_443 = tpu.memref_slice %arg18[%dma_wait3A_440, %dma_wait3A_441, %dma_wait3A_442] : memref<5x512x16xf32, #tpu.memory_space<vmem>> -> memref<1x128x16xf32, #tpu.memory_space<vmem>>
    %dma_wait3A_444 = tpu.memref_squeeze %dma_wait3A_443 : memref<1x128x16xf32, #tpu.memory_space<vmem>> -> memref<128x16xf32, #tpu.memory_space<vmem>>
    %dma_wait3A_445 = arith.constant 128 : i32
    %dma_wait3A_446 = tpu.memref_slice %arg17[%dma_wait3A_439, %dma_wait3A_445] : memref<5x512xi32, #tpu.memory_space<vmem>> -> memref<1x128xi32, #tpu.memory_space<vmem>>
    %dma_wait3A_447 = tpu.memref_squeeze %dma_wait3A_446 : memref<1x128xi32, #tpu.memory_space<vmem>> -> memref<128xi32, #tpu.memory_space<vmem>>
    %dma_wait3A_448 = arith.constant 0 : i32
    %dma_wait3A_449 = arith.constant 0 : i32
    %dma_wait3A_450 = tpu.memref_slice %arg4[%dma_wait3A_448, %dma_wait3A_449] : memref<52x16xf32, #tpu.memory_space<hbm>> -> memref<52x16xf32, #tpu.memory_space<hbm>>
    tpu.wait_indirect_dma semaphore(%arg19 : memref<!tpu.dma_semaphore, #tpu.memory_space<semaphore_mem>>) src(%dma_wait3A_450 : memref<52x16xf32, #tpu.memory_space<hbm>>) dst(%dma_wait3A_444 : memref<128x16xf32, #tpu.memory_space<vmem>>)
    %dma_wait3A_451 = arith.constant 2 : i32
    %dma_wait3A_452 = arith.constant 2 : i32
    %dma_wait3A_453 = arith.constant 256 : i32
    %dma_wait3A_454 = arith.constant 0 : i32
    %dma_wait3A_455 = tpu.memref_slice %arg18[%dma_wait3A_452, %dma_wait3A_453, %dma_wait3A_454] : memref<5x512x16xf32, #tpu.memory_space<vmem>> -> memref<1x128x16xf32, #tpu.memory_space<vmem>>
    %dma_wait3A_456 = tpu.memref_squeeze %dma_wait3A_455 : memref<1x128x16xf32, #tpu.memory_space<vmem>> -> memref<128x16xf32, #tpu.memory_space<vmem>>
    %dma_wait3A_457 = arith.constant 256 : i32
    %dma_wait3A_458 = tpu.memref_slice %arg17[%dma_wait3A_451, %dma_wait3A_457] : memref<5x512xi32, #tpu.memory_space<vmem>> -> memref<1x128xi32, #tpu.memory_space<vmem>>
    %dma_wait3A_459 = tpu.memref_squeeze %dma_wait3A_458 : memref<1x128xi32, #tpu.memory_space<vmem>> -> memref<128xi32, #tpu.memory_space<vmem>>
    %dma_wait3A_460 = arith.constant 0 : i32
    %dma_wait3A_461 = arith.constant 0 : i32
    %dma_wait3A_462 = tpu.memref_slice %arg4[%dma_wait3A_460, %dma_wait3A_461] : memref<52x16xf32, #tpu.memory_space<hbm>> -> memref<52x16xf32, #tpu.memory_space<hbm>>
    tpu.wait_indirect_dma semaphore(%arg19 : memref<!tpu.dma_semaphore, #tpu.memory_space<semaphore_mem>>) src(%dma_wait3A_462 : memref<52x16xf32, #tpu.memory_space<hbm>>) dst(%dma_wait3A_456 : memref<128x16xf32, #tpu.memory_space<vmem>>)
    %dma_wait3A_463 = arith.constant 2 : i32
    %dma_wait3A_464 = arith.constant 2 : i32
    %dma_wait3A_465 = arith.constant 384 : i32
    %dma_wait3A_466 = arith.constant 0 : i32
    %dma_wait3A_467 = tpu.memref_slice %arg18[%dma_wait3A_464, %dma_wait3A_465, %dma_wait3A_466] : memref<5x512x16xf32, #tpu.memory_space<vmem>> -> memref<1x128x16xf32, #tpu.memory_space<vmem>>
    %dma_wait3A_468 = tpu.memref_squeeze %dma_wait3A_467 : memref<1x128x16xf32, #tpu.memory_space<vmem>> -> memref<128x16xf32, #tpu.memory_space<vmem>>
    %dma_wait3A_469 = arith.constant 384 : i32
    %dma_wait3A_470 = tpu.memref_slice %arg17[%dma_wait3A_463, %dma_wait3A_469] : memref<5x512xi32, #tpu.memory_space<vmem>> -> memref<1x128xi32, #tpu.memory_space<vmem>>
    %dma_wait3A_471 = tpu.memref_squeeze %dma_wait3A_470 : memref<1x128xi32, #tpu.memory_space<vmem>> -> memref<128xi32, #tpu.memory_space<vmem>>
    %dma_wait3A_472 = arith.constant 0 : i32
    %dma_wait3A_473 = arith.constant 0 : i32
    %dma_wait3A_474 = tpu.memref_slice %arg4[%dma_wait3A_472, %dma_wait3A_473] : memref<52x16xf32, #tpu.memory_space<hbm>> -> memref<52x16xf32, #tpu.memory_space<hbm>>
    tpu.wait_indirect_dma semaphore(%arg19 : memref<!tpu.dma_semaphore, #tpu.memory_space<semaphore_mem>>) src(%dma_wait3A_474 : memref<52x16xf32, #tpu.memory_space<hbm>>) dst(%dma_wait3A_468 : memref<128x16xf32, #tpu.memory_space<vmem>>)
    %dma_wait3A_475 = arith.constant 3 : i32
    %dma_wait3A_476 = arith.constant 3 : i32
    %dma_wait3A_477 = arith.constant 0 : i32
    %dma_wait3A_478 = arith.constant 0 : i32
    %dma_wait3A_479 = tpu.memref_slice %arg18[%dma_wait3A_476, %dma_wait3A_477, %dma_wait3A_478] : memref<5x512x16xf32, #tpu.memory_space<vmem>> -> memref<1x128x16xf32, #tpu.memory_space<vmem>>
    %dma_wait3A_480 = tpu.memref_squeeze %dma_wait3A_479 : memref<1x128x16xf32, #tpu.memory_space<vmem>> -> memref<128x16xf32, #tpu.memory_space<vmem>>
    %dma_wait3A_481 = arith.constant 0 : i32
    %dma_wait3A_482 = tpu.memref_slice %arg17[%dma_wait3A_475, %dma_wait3A_481] : memref<5x512xi32, #tpu.memory_space<vmem>> -> memref<1x128xi32, #tpu.memory_space<vmem>>
    %dma_wait3A_483 = tpu.memref_squeeze %dma_wait3A_482 : memref<1x128xi32, #tpu.memory_space<vmem>> -> memref<128xi32, #tpu.memory_space<vmem>>
    %dma_wait3A_484 = arith.constant 0 : i32
    %dma_wait3A_485 = arith.constant 0 : i32
    %dma_wait3A_486 = tpu.memref_slice %arg5[%dma_wait3A_484, %dma_wait3A_485] : memref<7x16xf32, #tpu.memory_space<hbm>> -> memref<7x16xf32, #tpu.memory_space<hbm>>
    tpu.wait_indirect_dma semaphore(%arg19 : memref<!tpu.dma_semaphore, #tpu.memory_space<semaphore_mem>>) src(%dma_wait3A_486 : memref<7x16xf32, #tpu.memory_space<hbm>>) dst(%dma_wait3A_480 : memref<128x16xf32, #tpu.memory_space<vmem>>)
    %dma_wait3A_487 = arith.constant 3 : i32
    %dma_wait3A_488 = arith.constant 3 : i32
    %dma_wait3A_489 = arith.constant 128 : i32
    %dma_wait3A_490 = arith.constant 0 : i32
    %dma_wait3A_491 = tpu.memref_slice %arg18[%dma_wait3A_488, %dma_wait3A_489, %dma_wait3A_490] : memref<5x512x16xf32, #tpu.memory_space<vmem>> -> memref<1x128x16xf32, #tpu.memory_space<vmem>>
    %dma_wait3A_492 = tpu.memref_squeeze %dma_wait3A_491 : memref<1x128x16xf32, #tpu.memory_space<vmem>> -> memref<128x16xf32, #tpu.memory_space<vmem>>
    %dma_wait3A_493 = arith.constant 128 : i32
    %dma_wait3A_494 = tpu.memref_slice %arg17[%dma_wait3A_487, %dma_wait3A_493] : memref<5x512xi32, #tpu.memory_space<vmem>> -> memref<1x128xi32, #tpu.memory_space<vmem>>
    %dma_wait3A_495 = tpu.memref_squeeze %dma_wait3A_494 : memref<1x128xi32, #tpu.memory_space<vmem>> -> memref<128xi32, #tpu.memory_space<vmem>>
    %dma_wait3A_496 = arith.constant 0 : i32
    %dma_wait3A_497 = arith.constant 0 : i32
    %dma_wait3A_498 = tpu.memref_slice %arg5[%dma_wait3A_496, %dma_wait3A_497] : memref<7x16xf32, #tpu.memory_space<hbm>> -> memref<7x16xf32, #tpu.memory_space<hbm>>
    tpu.wait_indirect_dma semaphore(%arg19 : memref<!tpu.dma_semaphore, #tpu.memory_space<semaphore_mem>>) src(%dma_wait3A_498 : memref<7x16xf32, #tpu.memory_space<hbm>>) dst(%dma_wait3A_492 : memref<128x16xf32, #tpu.memory_space<vmem>>)
    %dma_wait3A_499 = arith.constant 3 : i32
    %dma_wait3A_500 = arith.constant 3 : i32
    %dma_wait3A_501 = arith.constant 256 : i32
    %dma_wait3A_502 = arith.constant 0 : i32
    %dma_wait3A_503 = tpu.memref_slice %arg18[%dma_wait3A_500, %dma_wait3A_501, %dma_wait3A_502] : memref<5x512x16xf32, #tpu.memory_space<vmem>> -> memref<1x128x16xf32, #tpu.memory_space<vmem>>
    %dma_wait3A_504 = tpu.memref_squeeze %dma_wait3A_503 : memref<1x128x16xf32, #tpu.memory_space<vmem>> -> memref<128x16xf32, #tpu.memory_space<vmem>>
    %dma_wait3A_505 = arith.constant 256 : i32
    %dma_wait3A_506 = tpu.memref_slice %arg17[%dma_wait3A_499, %dma_wait3A_505] : memref<5x512xi32, #tpu.memory_space<vmem>> -> memref<1x128xi32, #tpu.memory_space<vmem>>
    %dma_wait3A_507 = tpu.memref_squeeze %dma_wait3A_506 : memref<1x128xi32, #tpu.memory_space<vmem>> -> memref<128xi32, #tpu.memory_space<vmem>>
    %dma_wait3A_508 = arith.constant 0 : i32
    %dma_wait3A_509 = arith.constant 0 : i32
    %dma_wait3A_510 = tpu.memref_slice %arg5[%dma_wait3A_508, %dma_wait3A_509] : memref<7x16xf32, #tpu.memory_space<hbm>> -> memref<7x16xf32, #tpu.memory_space<hbm>>
    tpu.wait_indirect_dma semaphore(%arg19 : memref<!tpu.dma_semaphore, #tpu.memory_space<semaphore_mem>>) src(%dma_wait3A_510 : memref<7x16xf32, #tpu.memory_space<hbm>>) dst(%dma_wait3A_504 : memref<128x16xf32, #tpu.memory_space<vmem>>)
    %dma_wait3A_511 = arith.constant 3 : i32
    %dma_wait3A_512 = arith.constant 3 : i32
    %dma_wait3A_513 = arith.constant 384 : i32
    %dma_wait3A_514 = arith.constant 0 : i32
    %dma_wait3A_515 = tpu.memref_slice %arg18[%dma_wait3A_512, %dma_wait3A_513, %dma_wait3A_514] : memref<5x512x16xf32, #tpu.memory_space<vmem>> -> memref<1x128x16xf32, #tpu.memory_space<vmem>>
    %dma_wait3A_516 = tpu.memref_squeeze %dma_wait3A_515 : memref<1x128x16xf32, #tpu.memory_space<vmem>> -> memref<128x16xf32, #tpu.memory_space<vmem>>
    %dma_wait3A_517 = arith.constant 384 : i32
    %dma_wait3A_518 = tpu.memref_slice %arg17[%dma_wait3A_511, %dma_wait3A_517] : memref<5x512xi32, #tpu.memory_space<vmem>> -> memref<1x128xi32, #tpu.memory_space<vmem>>
    %dma_wait3A_519 = tpu.memref_squeeze %dma_wait3A_518 : memref<1x128xi32, #tpu.memory_space<vmem>> -> memref<128xi32, #tpu.memory_space<vmem>>
    %dma_wait3A_520 = arith.constant 0 : i32
    %dma_wait3A_521 = arith.constant 0 : i32
    %dma_wait3A_522 = tpu.memref_slice %arg5[%dma_wait3A_520, %dma_wait3A_521] : memref<7x16xf32, #tpu.memory_space<hbm>> -> memref<7x16xf32, #tpu.memory_space<hbm>>
    tpu.wait_indirect_dma semaphore(%arg19 : memref<!tpu.dma_semaphore, #tpu.memory_space<semaphore_mem>>) src(%dma_wait3A_522 : memref<7x16xf32, #tpu.memory_space<hbm>>) dst(%dma_wait3A_516 : memref<128x16xf32, #tpu.memory_space<vmem>>)
    %dma_wait3A_523 = arith.constant 4 : i32
    %dma_wait3A_524 = arith.constant 4 : i32
    %dma_wait3A_525 = arith.constant 0 : i32
    %dma_wait3A_526 = arith.constant 0 : i32
    %dma_wait3A_527 = tpu.memref_slice %arg18[%dma_wait3A_524, %dma_wait3A_525, %dma_wait3A_526] : memref<5x512x16xf32, #tpu.memory_space<vmem>> -> memref<1x128x16xf32, #tpu.memory_space<vmem>>
    %dma_wait3A_528 = tpu.memref_squeeze %dma_wait3A_527 : memref<1x128x16xf32, #tpu.memory_space<vmem>> -> memref<128x16xf32, #tpu.memory_space<vmem>>
    %dma_wait3A_529 = arith.constant 0 : i32
    %dma_wait3A_530 = tpu.memref_slice %arg17[%dma_wait3A_523, %dma_wait3A_529] : memref<5x512xi32, #tpu.memory_space<vmem>> -> memref<1x128xi32, #tpu.memory_space<vmem>>
    %dma_wait3A_531 = tpu.memref_squeeze %dma_wait3A_530 : memref<1x128xi32, #tpu.memory_space<vmem>> -> memref<128xi32, #tpu.memory_space<vmem>>
    %dma_wait3A_532 = arith.constant 0 : i32
    %dma_wait3A_533 = arith.constant 0 : i32
    %dma_wait3A_534 = tpu.memref_slice %arg6[%dma_wait3A_532, %dma_wait3A_533] : memref<96x16xf32, #tpu.memory_space<hbm>> -> memref<96x16xf32, #tpu.memory_space<hbm>>
    tpu.wait_indirect_dma semaphore(%arg19 : memref<!tpu.dma_semaphore, #tpu.memory_space<semaphore_mem>>) src(%dma_wait3A_534 : memref<96x16xf32, #tpu.memory_space<hbm>>) dst(%dma_wait3A_528 : memref<128x16xf32, #tpu.memory_space<vmem>>)
    %dma_wait3A_535 = arith.constant 4 : i32
    %dma_wait3A_536 = arith.constant 4 : i32
    %dma_wait3A_537 = arith.constant 128 : i32
    %dma_wait3A_538 = arith.constant 0 : i32
    %dma_wait3A_539 = tpu.memref_slice %arg18[%dma_wait3A_536, %dma_wait3A_537, %dma_wait3A_538] : memref<5x512x16xf32, #tpu.memory_space<vmem>> -> memref<1x128x16xf32, #tpu.memory_space<vmem>>
    %dma_wait3A_540 = tpu.memref_squeeze %dma_wait3A_539 : memref<1x128x16xf32, #tpu.memory_space<vmem>> -> memref<128x16xf32, #tpu.memory_space<vmem>>
    %dma_wait3A_541 = arith.constant 128 : i32
    %dma_wait3A_542 = tpu.memref_slice %arg17[%dma_wait3A_535, %dma_wait3A_541] : memref<5x512xi32, #tpu.memory_space<vmem>> -> memref<1x128xi32, #tpu.memory_space<vmem>>
    %dma_wait3A_543 = tpu.memref_squeeze %dma_wait3A_542 : memref<1x128xi32, #tpu.memory_space<vmem>> -> memref<128xi32, #tpu.memory_space<vmem>>
    %dma_wait3A_544 = arith.constant 0 : i32
    %dma_wait3A_545 = arith.constant 0 : i32
    %dma_wait3A_546 = tpu.memref_slice %arg6[%dma_wait3A_544, %dma_wait3A_545] : memref<96x16xf32, #tpu.memory_space<hbm>> -> memref<96x16xf32, #tpu.memory_space<hbm>>
    tpu.wait_indirect_dma semaphore(%arg19 : memref<!tpu.dma_semaphore, #tpu.memory_space<semaphore_mem>>) src(%dma_wait3A_546 : memref<96x16xf32, #tpu.memory_space<hbm>>) dst(%dma_wait3A_540 : memref<128x16xf32, #tpu.memory_space<vmem>>)
    %dma_wait3A_547 = arith.constant 4 : i32
    %dma_wait3A_548 = arith.constant 4 : i32
    %dma_wait3A_549 = arith.constant 256 : i32
    %dma_wait3A_550 = arith.constant 0 : i32
    %dma_wait3A_551 = tpu.memref_slice %arg18[%dma_wait3A_548, %dma_wait3A_549, %dma_wait3A_550] : memref<5x512x16xf32, #tpu.memory_space<vmem>> -> memref<1x128x16xf32, #tpu.memory_space<vmem>>
    %dma_wait3A_552 = tpu.memref_squeeze %dma_wait3A_551 : memref<1x128x16xf32, #tpu.memory_space<vmem>> -> memref<128x16xf32, #tpu.memory_space<vmem>>
    %dma_wait3A_553 = arith.constant 256 : i32
    %dma_wait3A_554 = tpu.memref_slice %arg17[%dma_wait3A_547, %dma_wait3A_553] : memref<5x512xi32, #tpu.memory_space<vmem>> -> memref<1x128xi32, #tpu.memory_space<vmem>>
    %dma_wait3A_555 = tpu.memref_squeeze %dma_wait3A_554 : memref<1x128xi32, #tpu.memory_space<vmem>> -> memref<128xi32, #tpu.memory_space<vmem>>
    %dma_wait3A_556 = arith.constant 0 : i32
    %dma_wait3A_557 = arith.constant 0 : i32
    %dma_wait3A_558 = tpu.memref_slice %arg6[%dma_wait3A_556, %dma_wait3A_557] : memref<96x16xf32, #tpu.memory_space<hbm>> -> memref<96x16xf32, #tpu.memory_space<hbm>>
    tpu.wait_indirect_dma semaphore(%arg19 : memref<!tpu.dma_semaphore, #tpu.memory_space<semaphore_mem>>) src(%dma_wait3A_558 : memref<96x16xf32, #tpu.memory_space<hbm>>) dst(%dma_wait3A_552 : memref<128x16xf32, #tpu.memory_space<vmem>>)
    %dma_wait3A_559 = arith.constant 4 : i32
    %dma_wait3A_560 = arith.constant 4 : i32
    %dma_wait3A_561 = arith.constant 384 : i32
    %dma_wait3A_562 = arith.constant 0 : i32
    %dma_wait3A_563 = tpu.memref_slice %arg18[%dma_wait3A_560, %dma_wait3A_561, %dma_wait3A_562] : memref<5x512x16xf32, #tpu.memory_space<vmem>> -> memref<1x128x16xf32, #tpu.memory_space<vmem>>
    %dma_wait3A_564 = tpu.memref_squeeze %dma_wait3A_563 : memref<1x128x16xf32, #tpu.memory_space<vmem>> -> memref<128x16xf32, #tpu.memory_space<vmem>>
    %dma_wait3A_565 = arith.constant 384 : i32
    %dma_wait3A_566 = tpu.memref_slice %arg17[%dma_wait3A_559, %dma_wait3A_565] : memref<5x512xi32, #tpu.memory_space<vmem>> -> memref<1x128xi32, #tpu.memory_space<vmem>>
    %dma_wait3A_567 = tpu.memref_squeeze %dma_wait3A_566 : memref<1x128xi32, #tpu.memory_space<vmem>> -> memref<128xi32, #tpu.memory_space<vmem>>
    %dma_wait3A_568 = arith.constant 0 : i32
    %dma_wait3A_569 = arith.constant 0 : i32
    %dma_wait3A_570 = tpu.memref_slice %arg6[%dma_wait3A_568, %dma_wait3A_569] : memref<96x16xf32, #tpu.memory_space<hbm>> -> memref<96x16xf32, #tpu.memory_space<hbm>>
    tpu.wait_indirect_dma semaphore(%arg19 : memref<!tpu.dma_semaphore, #tpu.memory_space<semaphore_mem>>) src(%dma_wait3A_570 : memref<96x16xf32, #tpu.memory_space<hbm>>) dst(%dma_wait3A_564 : memref<128x16xf32, #tpu.memory_space<vmem>>)
    %dma_start3A_571 = arith.constant 0 : i32
    %dma_start3A_572 = arith.constant 0 : i32
    %dma_start3A_573 = arith.constant 0 : i32
    %dma_start3A_574 = tpu.memref_slice %arg18[%dma_start3A_571, %dma_start3A_572, %dma_start3A_573] : memref<5x512x16xf32, #tpu.memory_space<vmem>> -> memref<1x512x16xf32, #tpu.memory_space<vmem>>
    %dma_start3A_575 = tpu.memref_squeeze %dma_start3A_574 : memref<1x512x16xf32, #tpu.memory_space<vmem>> -> memref<512x16xf32, #tpu.memory_space<vmem>>
    %dma_start3A_576 = arith.constant 0 : i32
    %dma_start3A_577 = tpu.memref_slice %arg12[%mul3A_2, %dma_start3A_576] : memref<16384x16xf32, #tpu.memory_space<hbm>> -> memref<512x16xf32, #tpu.memory_space<hbm>>
    %dma_start3A_578 = arith.constant 0 : i32
    %dma_start3A_579 = tpu.memref_slice %arg12[%mul3A_2, %dma_start3A_578] : memref<16384x16xf32, #tpu.memory_space<hbm>> -> memref<512x16xf32, #tpu.memory_space<hbm>>
    %dma_start3A_580 = arith.constant 0 : i32
    %dma_start3A_581 = arith.constant 0 : i32
    %dma_start3A_582 = tpu.memref_slice %arg18[%dma_start3A_571, %dma_start3A_580, %dma_start3A_581] : memref<5x512x16xf32, #tpu.memory_space<vmem>> -> memref<1x512x16xf32, #tpu.memory_space<vmem>>
    %dma_start3A_583 = tpu.memref_squeeze %dma_start3A_582 : memref<1x512x16xf32, #tpu.memory_space<vmem>> -> memref<512x16xf32, #tpu.memory_space<vmem>>
    tpu.enqueue_dma source(%dma_start3A_583 : memref<512x16xf32, #tpu.memory_space<vmem>>) target(%dma_start3A_579 : memref<512x16xf32, #tpu.memory_space<hbm>>) target_semaphore(%arg19 : memref<!tpu.dma_semaphore, #tpu.memory_space<semaphore_mem>>)
    %dma_start3A_584 = arith.constant 1 : i32
    %dma_start3A_585 = arith.constant 0 : i32
    %dma_start3A_586 = arith.constant 0 : i32
    %dma_start3A_587 = tpu.memref_slice %arg18[%dma_start3A_584, %dma_start3A_585, %dma_start3A_586] : memref<5x512x16xf32, #tpu.memory_space<vmem>> -> memref<1x512x16xf32, #tpu.memory_space<vmem>>
    %dma_start3A_588 = tpu.memref_squeeze %dma_start3A_587 : memref<1x512x16xf32, #tpu.memory_space<vmem>> -> memref<512x16xf32, #tpu.memory_space<vmem>>
    %dma_start3A_589 = arith.constant 0 : i32
    %dma_start3A_590 = tpu.memref_slice %arg13[%mul3A_2, %dma_start3A_589] : memref<16384x16xf32, #tpu.memory_space<hbm>> -> memref<512x16xf32, #tpu.memory_space<hbm>>
    %dma_start3A_591 = arith.constant 0 : i32
    %dma_start3A_592 = tpu.memref_slice %arg13[%mul3A_2, %dma_start3A_591] : memref<16384x16xf32, #tpu.memory_space<hbm>> -> memref<512x16xf32, #tpu.memory_space<hbm>>
    %dma_start3A_593 = arith.constant 0 : i32
    %dma_start3A_594 = arith.constant 0 : i32
    %dma_start3A_595 = tpu.memref_slice %arg18[%dma_start3A_584, %dma_start3A_593, %dma_start3A_594] : memref<5x512x16xf32, #tpu.memory_space<vmem>> -> memref<1x512x16xf32, #tpu.memory_space<vmem>>
    %dma_start3A_596 = tpu.memref_squeeze %dma_start3A_595 : memref<1x512x16xf32, #tpu.memory_space<vmem>> -> memref<512x16xf32, #tpu.memory_space<vmem>>
    tpu.enqueue_dma source(%dma_start3A_596 : memref<512x16xf32, #tpu.memory_space<vmem>>) target(%dma_start3A_592 : memref<512x16xf32, #tpu.memory_space<hbm>>) target_semaphore(%arg19 : memref<!tpu.dma_semaphore, #tpu.memory_space<semaphore_mem>>)
    %dma_start3A_597 = arith.constant 2 : i32
    %dma_start3A_598 = arith.constant 0 : i32
    %dma_start3A_599 = arith.constant 0 : i32
    %dma_start3A_600 = tpu.memref_slice %arg18[%dma_start3A_597, %dma_start3A_598, %dma_start3A_599] : memref<5x512x16xf32, #tpu.memory_space<vmem>> -> memref<1x512x16xf32, #tpu.memory_space<vmem>>
    %dma_start3A_601 = tpu.memref_squeeze %dma_start3A_600 : memref<1x512x16xf32, #tpu.memory_space<vmem>> -> memref<512x16xf32, #tpu.memory_space<vmem>>
    %dma_start3A_602 = arith.constant 0 : i32
    %dma_start3A_603 = tpu.memref_slice %arg14[%mul3A_2, %dma_start3A_602] : memref<16384x16xf32, #tpu.memory_space<hbm>> -> memref<512x16xf32, #tpu.memory_space<hbm>>
    %dma_start3A_604 = arith.constant 0 : i32
    %dma_start3A_605 = tpu.memref_slice %arg14[%mul3A_2, %dma_start3A_604] : memref<16384x16xf32, #tpu.memory_space<hbm>> -> memref<512x16xf32, #tpu.memory_space<hbm>>
    %dma_start3A_606 = arith.constant 0 : i32
    %dma_start3A_607 = arith.constant 0 : i32
    %dma_start3A_608 = tpu.memref_slice %arg18[%dma_start3A_597, %dma_start3A_606, %dma_start3A_607] : memref<5x512x16xf32, #tpu.memory_space<vmem>> -> memref<1x512x16xf32, #tpu.memory_space<vmem>>
    %dma_start3A_609 = tpu.memref_squeeze %dma_start3A_608 : memref<1x512x16xf32, #tpu.memory_space<vmem>> -> memref<512x16xf32, #tpu.memory_space<vmem>>
    tpu.enqueue_dma source(%dma_start3A_609 : memref<512x16xf32, #tpu.memory_space<vmem>>) target(%dma_start3A_605 : memref<512x16xf32, #tpu.memory_space<hbm>>) target_semaphore(%arg19 : memref<!tpu.dma_semaphore, #tpu.memory_space<semaphore_mem>>)
    %dma_start3A_610 = arith.constant 3 : i32
    %dma_start3A_611 = arith.constant 0 : i32
    %dma_start3A_612 = arith.constant 0 : i32
    %dma_start3A_613 = tpu.memref_slice %arg18[%dma_start3A_610, %dma_start3A_611, %dma_start3A_612] : memref<5x512x16xf32, #tpu.memory_space<vmem>> -> memref<1x512x16xf32, #tpu.memory_space<vmem>>
    %dma_start3A_614 = tpu.memref_squeeze %dma_start3A_613 : memref<1x512x16xf32, #tpu.memory_space<vmem>> -> memref<512x16xf32, #tpu.memory_space<vmem>>
    %dma_start3A_615 = arith.constant 0 : i32
    %dma_start3A_616 = tpu.memref_slice %arg15[%mul3A_2, %dma_start3A_615] : memref<16384x16xf32, #tpu.memory_space<hbm>> -> memref<512x16xf32, #tpu.memory_space<hbm>>
    %dma_start3A_617 = arith.constant 0 : i32
    %dma_start3A_618 = tpu.memref_slice %arg15[%mul3A_2, %dma_start3A_617] : memref<16384x16xf32, #tpu.memory_space<hbm>> -> memref<512x16xf32, #tpu.memory_space<hbm>>
    %dma_start3A_619 = arith.constant 0 : i32
    %dma_start3A_620 = arith.constant 0 : i32
    %dma_start3A_621 = tpu.memref_slice %arg18[%dma_start3A_610, %dma_start3A_619, %dma_start3A_620] : memref<5x512x16xf32, #tpu.memory_space<vmem>> -> memref<1x512x16xf32, #tpu.memory_space<vmem>>
    %dma_start3A_622 = tpu.memref_squeeze %dma_start3A_621 : memref<1x512x16xf32, #tpu.memory_space<vmem>> -> memref<512x16xf32, #tpu.memory_space<vmem>>
    tpu.enqueue_dma source(%dma_start3A_622 : memref<512x16xf32, #tpu.memory_space<vmem>>) target(%dma_start3A_618 : memref<512x16xf32, #tpu.memory_space<hbm>>) target_semaphore(%arg19 : memref<!tpu.dma_semaphore, #tpu.memory_space<semaphore_mem>>)
    %dma_start3A_623 = arith.constant 4 : i32
    %dma_start3A_624 = arith.constant 0 : i32
    %dma_start3A_625 = arith.constant 0 : i32
    %dma_start3A_626 = tpu.memref_slice %arg18[%dma_start3A_623, %dma_start3A_624, %dma_start3A_625] : memref<5x512x16xf32, #tpu.memory_space<vmem>> -> memref<1x512x16xf32, #tpu.memory_space<vmem>>
    %dma_start3A_627 = tpu.memref_squeeze %dma_start3A_626 : memref<1x512x16xf32, #tpu.memory_space<vmem>> -> memref<512x16xf32, #tpu.memory_space<vmem>>
    %dma_start3A_628 = arith.constant 0 : i32
    %dma_start3A_629 = tpu.memref_slice %arg16[%mul3A_2, %dma_start3A_628] : memref<16384x16xf32, #tpu.memory_space<hbm>> -> memref<512x16xf32, #tpu.memory_space<hbm>>
    %dma_start3A_630 = arith.constant 0 : i32
    %dma_start3A_631 = tpu.memref_slice %arg16[%mul3A_2, %dma_start3A_630] : memref<16384x16xf32, #tpu.memory_space<hbm>> -> memref<512x16xf32, #tpu.memory_space<hbm>>
    %dma_start3A_632 = arith.constant 0 : i32
    %dma_start3A_633 = arith.constant 0 : i32
    %dma_start3A_634 = tpu.memref_slice %arg18[%dma_start3A_623, %dma_start3A_632, %dma_start3A_633] : memref<5x512x16xf32, #tpu.memory_space<vmem>> -> memref<1x512x16xf32, #tpu.memory_space<vmem>>
    %dma_start3A_635 = tpu.memref_squeeze %dma_start3A_634 : memref<1x512x16xf32, #tpu.memory_space<vmem>> -> memref<512x16xf32, #tpu.memory_space<vmem>>
    tpu.enqueue_dma source(%dma_start3A_635 : memref<512x16xf32, #tpu.memory_space<vmem>>) target(%dma_start3A_631 : memref<512x16xf32, #tpu.memory_space<hbm>>) target_semaphore(%arg19 : memref<!tpu.dma_semaphore, #tpu.memory_space<semaphore_mem>>)
    %dma_wait3A_636 = arith.constant 0 : i32
    %dma_wait3A_637 = arith.constant 0 : i32
    %dma_wait3A_638 = arith.constant 0 : i32
    %dma_wait3A_639 = tpu.memref_slice %arg18[%dma_wait3A_636, %dma_wait3A_637, %dma_wait3A_638] : memref<5x512x16xf32, #tpu.memory_space<vmem>> -> memref<1x512x16xf32, #tpu.memory_space<vmem>>
    %dma_wait3A_640 = tpu.memref_squeeze %dma_wait3A_639 : memref<1x512x16xf32, #tpu.memory_space<vmem>> -> memref<512x16xf32, #tpu.memory_space<vmem>>
    %dma_wait3A_641 = arith.constant 0 : i32
    %dma_wait3A_642 = tpu.memref_slice %arg12[%mul3A_2, %dma_wait3A_641] : memref<16384x16xf32, #tpu.memory_space<hbm>> -> memref<512x16xf32, #tpu.memory_space<hbm>>
    %dma_wait3A_643 = arith.constant 0 : i32
    %dma_wait3A_644 = tpu.memref_slice %arg12[%mul3A_2, %dma_wait3A_643] : memref<16384x16xf32, #tpu.memory_space<hbm>> -> memref<512x16xf32, #tpu.memory_space<hbm>>
    %dma_wait3A_645 = arith.constant 0 : i32
    %dma_wait3A_646 = arith.constant 0 : i32
    %dma_wait3A_647 = tpu.memref_slice %arg18[%dma_wait3A_636, %dma_wait3A_645, %dma_wait3A_646] : memref<5x512x16xf32, #tpu.memory_space<vmem>> -> memref<1x512x16xf32, #tpu.memory_space<vmem>>
    %dma_wait3A_648 = tpu.memref_squeeze %dma_wait3A_647 : memref<1x512x16xf32, #tpu.memory_space<vmem>> -> memref<512x16xf32, #tpu.memory_space<vmem>>
    tpu.wait_dma2 semaphore(%arg19 : memref<!tpu.dma_semaphore, #tpu.memory_space<semaphore_mem>>) src(%dma_wait3A_648 : memref<512x16xf32, #tpu.memory_space<vmem>>) dst(%dma_wait3A_644 : memref<512x16xf32, #tpu.memory_space<hbm>>)
    %dma_wait3A_649 = arith.constant 1 : i32
    %dma_wait3A_650 = arith.constant 0 : i32
    %dma_wait3A_651 = arith.constant 0 : i32
    %dma_wait3A_652 = tpu.memref_slice %arg18[%dma_wait3A_649, %dma_wait3A_650, %dma_wait3A_651] : memref<5x512x16xf32, #tpu.memory_space<vmem>> -> memref<1x512x16xf32, #tpu.memory_space<vmem>>
    %dma_wait3A_653 = tpu.memref_squeeze %dma_wait3A_652 : memref<1x512x16xf32, #tpu.memory_space<vmem>> -> memref<512x16xf32, #tpu.memory_space<vmem>>
    %dma_wait3A_654 = arith.constant 0 : i32
    %dma_wait3A_655 = tpu.memref_slice %arg13[%mul3A_2, %dma_wait3A_654] : memref<16384x16xf32, #tpu.memory_space<hbm>> -> memref<512x16xf32, #tpu.memory_space<hbm>>
    %dma_wait3A_656 = arith.constant 0 : i32
    %dma_wait3A_657 = tpu.memref_slice %arg13[%mul3A_2, %dma_wait3A_656] : memref<16384x16xf32, #tpu.memory_space<hbm>> -> memref<512x16xf32, #tpu.memory_space<hbm>>
    %dma_wait3A_658 = arith.constant 0 : i32
    %dma_wait3A_659 = arith.constant 0 : i32
    %dma_wait3A_660 = tpu.memref_slice %arg18[%dma_wait3A_649, %dma_wait3A_658, %dma_wait3A_659] : memref<5x512x16xf32, #tpu.memory_space<vmem>> -> memref<1x512x16xf32, #tpu.memory_space<vmem>>
    %dma_wait3A_661 = tpu.memref_squeeze %dma_wait3A_660 : memref<1x512x16xf32, #tpu.memory_space<vmem>> -> memref<512x16xf32, #tpu.memory_space<vmem>>
    tpu.wait_dma2 semaphore(%arg19 : memref<!tpu.dma_semaphore, #tpu.memory_space<semaphore_mem>>) src(%dma_wait3A_661 : memref<512x16xf32, #tpu.memory_space<vmem>>) dst(%dma_wait3A_657 : memref<512x16xf32, #tpu.memory_space<hbm>>)
    %dma_wait3A_662 = arith.constant 2 : i32
    %dma_wait3A_663 = arith.constant 0 : i32
    %dma_wait3A_664 = arith.constant 0 : i32
    %dma_wait3A_665 = tpu.memref_slice %arg18[%dma_wait3A_662, %dma_wait3A_663, %dma_wait3A_664] : memref<5x512x16xf32, #tpu.memory_space<vmem>> -> memref<1x512x16xf32, #tpu.memory_space<vmem>>
    %dma_wait3A_666 = tpu.memref_squeeze %dma_wait3A_665 : memref<1x512x16xf32, #tpu.memory_space<vmem>> -> memref<512x16xf32, #tpu.memory_space<vmem>>
    %dma_wait3A_667 = arith.constant 0 : i32
    %dma_wait3A_668 = tpu.memref_slice %arg14[%mul3A_2, %dma_wait3A_667] : memref<16384x16xf32, #tpu.memory_space<hbm>> -> memref<512x16xf32, #tpu.memory_space<hbm>>
    %dma_wait3A_669 = arith.constant 0 : i32
    %dma_wait3A_670 = tpu.memref_slice %arg14[%mul3A_2, %dma_wait3A_669] : memref<16384x16xf32, #tpu.memory_space<hbm>> -> memref<512x16xf32, #tpu.memory_space<hbm>>
    %dma_wait3A_671 = arith.constant 0 : i32
    %dma_wait3A_672 = arith.constant 0 : i32
    %dma_wait3A_673 = tpu.memref_slice %arg18[%dma_wait3A_662, %dma_wait3A_671, %dma_wait3A_672] : memref<5x512x16xf32, #tpu.memory_space<vmem>> -> memref<1x512x16xf32, #tpu.memory_space<vmem>>
    %dma_wait3A_674 = tpu.memref_squeeze %dma_wait3A_673 : memref<1x512x16xf32, #tpu.memory_space<vmem>> -> memref<512x16xf32, #tpu.memory_space<vmem>>
    tpu.wait_dma2 semaphore(%arg19 : memref<!tpu.dma_semaphore, #tpu.memory_space<semaphore_mem>>) src(%dma_wait3A_674 : memref<512x16xf32, #tpu.memory_space<vmem>>) dst(%dma_wait3A_670 : memref<512x16xf32, #tpu.memory_space<hbm>>)
    %dma_wait3A_675 = arith.constant 3 : i32
    %dma_wait3A_676 = arith.constant 0 : i32
    %dma_wait3A_677 = arith.constant 0 : i32
    %dma_wait3A_678 = tpu.memref_slice %arg18[%dma_wait3A_675, %dma_wait3A_676, %dma_wait3A_677] : memref<5x512x16xf32, #tpu.memory_space<vmem>> -> memref<1x512x16xf32, #tpu.memory_space<vmem>>
    %dma_wait3A_679 = tpu.memref_squeeze %dma_wait3A_678 : memref<1x512x16xf32, #tpu.memory_space<vmem>> -> memref<512x16xf32, #tpu.memory_space<vmem>>
    %dma_wait3A_680 = arith.constant 0 : i32
    %dma_wait3A_681 = tpu.memref_slice %arg15[%mul3A_2, %dma_wait3A_680] : memref<16384x16xf32, #tpu.memory_space<hbm>> -> memref<512x16xf32, #tpu.memory_space<hbm>>
    %dma_wait3A_682 = arith.constant 0 : i32
    %dma_wait3A_683 = tpu.memref_slice %arg15[%mul3A_2, %dma_wait3A_682] : memref<16384x16xf32, #tpu.memory_space<hbm>> -> memref<512x16xf32, #tpu.memory_space<hbm>>
    %dma_wait3A_684 = arith.constant 0 : i32
    %dma_wait3A_685 = arith.constant 0 : i32
    %dma_wait3A_686 = tpu.memref_slice %arg18[%dma_wait3A_675, %dma_wait3A_684, %dma_wait3A_685] : memref<5x512x16xf32, #tpu.memory_space<vmem>> -> memref<1x512x16xf32, #tpu.memory_space<vmem>>
    %dma_wait3A_687 = tpu.memref_squeeze %dma_wait3A_686 : memref<1x512x16xf32, #tpu.memory_space<vmem>> -> memref<512x16xf32, #tpu.memory_space<vmem>>
    tpu.wait_dma2 semaphore(%arg19 : memref<!tpu.dma_semaphore, #tpu.memory_space<semaphore_mem>>) src(%dma_wait3A_687 : memref<512x16xf32, #tpu.memory_space<vmem>>) dst(%dma_wait3A_683 : memref<512x16xf32, #tpu.memory_space<hbm>>)
    %dma_wait3A_688 = arith.constant 4 : i32
    %dma_wait3A_689 = arith.constant 0 : i32
    %dma_wait3A_690 = arith.constant 0 : i32
    %dma_wait3A_691 = tpu.memref_slice %arg18[%dma_wait3A_688, %dma_wait3A_689, %dma_wait3A_690] : memref<5x512x16xf32, #tpu.memory_space<vmem>> -> memref<1x512x16xf32, #tpu.memory_space<vmem>>
    %dma_wait3A_692 = tpu.memref_squeeze %dma_wait3A_691 : memref<1x512x16xf32, #tpu.memory_space<vmem>> -> memref<512x16xf32, #tpu.memory_space<vmem>>
    %dma_wait3A_693 = arith.constant 0 : i32
    %dma_wait3A_694 = tpu.memref_slice %arg16[%mul3A_2, %dma_wait3A_693] : memref<16384x16xf32, #tpu.memory_space<hbm>> -> memref<512x16xf32, #tpu.memory_space<hbm>>
    %dma_wait3A_695 = arith.constant 0 : i32
    %dma_wait3A_696 = tpu.memref_slice %arg16[%mul3A_2, %dma_wait3A_695] : memref<16384x16xf32, #tpu.memory_space<hbm>> -> memref<512x16xf32, #tpu.memory_space<hbm>>
    %dma_wait3A_697 = arith.constant 0 : i32
    %dma_wait3A_698 = arith.constant 0 : i32
    %dma_wait3A_699 = tpu.memref_slice %arg18[%dma_wait3A_688, %dma_wait3A_697, %dma_wait3A_698] : memref<5x512x16xf32, #tpu.memory_space<vmem>> -> memref<1x512x16xf32, #tpu.memory_space<vmem>>
    %dma_wait3A_700 = tpu.memref_squeeze %dma_wait3A_699 : memref<1x512x16xf32, #tpu.memory_space<vmem>> -> memref<512x16xf32, #tpu.memory_space<vmem>>
    tpu.wait_dma2 semaphore(%arg19 : memref<!tpu.dma_semaphore, #tpu.memory_space<semaphore_mem>>) src(%dma_wait3A_700 : memref<512x16xf32, #tpu.memory_space<vmem>>) dst(%dma_wait3A_696 : memref<512x16xf32, #tpu.memory_space<hbm>>)
    return
  }
}

module attributes {stable_mosaic.version = 14 : i64} {
  func.func @_mlp_body(%arg0: i32, %arg1: memref<256x20xf32, #tpu.memory_space<vmem>>, %arg2: memref<256x16xf32, #tpu.memory_space<vmem>>, %arg3: memref<256x16xf32, #tpu.memory_space<vmem>>, %arg4: memref<256x16xf32, #tpu.memory_space<vmem>>, %arg5: memref<256x16xf32, #tpu.memory_space<vmem>>, %arg6: memref<256x16xf32, #tpu.memory_space<vmem>>, %arg7: memref<20x512xf32, #tpu.memory_space<vmem>>, %arg8: memref<16x512xf32, #tpu.memory_space<vmem>>, %arg9: memref<16x512xf32, #tpu.memory_space<vmem>>, %arg10: memref<16x512xf32, #tpu.memory_space<vmem>>, %arg11: memref<16x512xf32, #tpu.memory_space<vmem>>, %arg12: memref<16x512xf32, #tpu.memory_space<vmem>>, %arg13: memref<1x512xf32, #tpu.memory_space<vmem>>, %arg14: memref<512x3392xbf16, #tpu.memory_space<vmem>>, %arg15: memref<1x3392xf32, #tpu.memory_space<vmem>>, %arg16: memref<256x3392xf32, #tpu.memory_space<vmem>>) attributes {dimension_semantics = [#tpu.dimension_semantics<arbitrary>], iteration_bounds = array<i64: 64>, scalar_prefetch = 0 : i64, scratch_operands = 0 : i64, tpu.core_type = #tpu.core_type<tc>, window_params = [{transform_indices = @transform_0, window_bounds = array<i64: 256, 20>}, {transform_indices = @transform_1, window_bounds = array<i64: 256, 16>}, {transform_indices = @transform_2, window_bounds = array<i64: 256, 16>}, {transform_indices = @transform_3, window_bounds = array<i64: 256, 16>}, {transform_indices = @transform_4, window_bounds = array<i64: 256, 16>}, {transform_indices = @transform_5, window_bounds = array<i64: 256, 16>}, {pipeline_mode = #tpu.pipeline_mode<synchronous>, transform_indices = @transform_6, window_bounds = array<i64: 20, 512>}, {pipeline_mode = #tpu.pipeline_mode<synchronous>, transform_indices = @transform_7, window_bounds = array<i64: 16, 512>}, {pipeline_mode = #tpu.pipeline_mode<synchronous>, transform_indices = @transform_8, window_bounds = array<i64: 16, 512>}, {pipeline_mode = #tpu.pipeline_mode<synchronous>, transform_indices = @transform_9, window_bounds = array<i64: 16, 512>}, {pipeline_mode = #tpu.pipeline_mode<synchronous>, transform_indices = @transform_10, window_bounds = array<i64: 16, 512>}, {pipeline_mode = #tpu.pipeline_mode<synchronous>, transform_indices = @transform_11, window_bounds = array<i64: 16, 512>}, {pipeline_mode = #tpu.pipeline_mode<synchronous>, transform_indices = @transform_12, window_bounds = array<i64: 1, 512>}, {pipeline_mode = #tpu.pipeline_mode<synchronous>, transform_indices = @transform_13, window_bounds = array<i64: 512, 3392>}, {pipeline_mode = #tpu.pipeline_mode<synchronous>, transform_indices = @transform_14, window_bounds = array<i64: 1, 3392>}, {transform_indices = @transform_15, window_bounds = array<i64: 256, 3392>}]} {
    %get3A = arith.constant 0 : index
    %get3A_0 = arith.constant 0 : index
    %get3A_1 = vector.load %arg1[%get3A, %get3A_0] : memref<256x20xf32, #tpu.memory_space<vmem>>, vector<256x20xf32>
    %get3A_2 = arith.constant 0 : index
    %get3A_3 = arith.constant 0 : index
    %get3A_4 = vector.load %arg7[%get3A_2, %get3A_3] : memref<20x512xf32, #tpu.memory_space<vmem>>, vector<20x512xf32>
    %dot_general3A = arith.constant dense<0.000000e+00> : vector<256x512xf32>
    %dot_general3A_5 = tpu.matmul %get3A_1, %get3A_4, %dot_general3A {dimension_numbers = #tpu.dot_dimension_numbers<[1], [0], [0], [1], [0, 0, 1, 1], [], []>, transpose_lhs_hint = false} : vector<256x20xf32>, vector<20x512xf32>, vector<256x512xf32> -> vector<256x512xf32>
    %get3A_6 = arith.constant 0 : index
    %get3A_7 = arith.constant 0 : index
    %get3A_8 = vector.load %arg2[%get3A_6, %get3A_7] : memref<256x16xf32, #tpu.memory_space<vmem>>, vector<256x16xf32>
    %get3A_9 = arith.constant 0 : index
    %get3A_10 = arith.constant 0 : index
    %get3A_11 = vector.load %arg8[%get3A_9, %get3A_10] : memref<16x512xf32, #tpu.memory_space<vmem>>, vector<16x512xf32>
    %dot_general3A_12 = arith.constant dense<0.000000e+00> : vector<256x512xf32>
    %dot_general3A_13 = tpu.matmul %get3A_8, %get3A_11, %dot_general3A_12 {dimension_numbers = #tpu.dot_dimension_numbers<[1], [0], [0], [1], [0, 0, 1, 1], [], []>, transpose_lhs_hint = false} : vector<256x16xf32>, vector<16x512xf32>, vector<256x512xf32> -> vector<256x512xf32>
    %add3A = arith.addf %dot_general3A_5, %dot_general3A_13 : vector<256x512xf32>
    %get3A_14 = arith.constant 0 : index
    %get3A_15 = arith.constant 0 : index
    %get3A_16 = vector.load %arg3[%get3A_14, %get3A_15] : memref<256x16xf32, #tpu.memory_space<vmem>>, vector<256x16xf32>
    %get3A_17 = arith.constant 0 : index
    %get3A_18 = arith.constant 0 : index
    %get3A_19 = vector.load %arg9[%get3A_17, %get3A_18] : memref<16x512xf32, #tpu.memory_space<vmem>>, vector<16x512xf32>
    %dot_general3A_20 = arith.constant dense<0.000000e+00> : vector<256x512xf32>
    %dot_general3A_21 = tpu.matmul %get3A_16, %get3A_19, %dot_general3A_20 {dimension_numbers = #tpu.dot_dimension_numbers<[1], [0], [0], [1], [0, 0, 1, 1], [], []>, transpose_lhs_hint = false} : vector<256x16xf32>, vector<16x512xf32>, vector<256x512xf32> -> vector<256x512xf32>
    %add3A_22 = arith.addf %add3A, %dot_general3A_21 : vector<256x512xf32>
    %get3A_23 = arith.constant 0 : index
    %get3A_24 = arith.constant 0 : index
    %get3A_25 = vector.load %arg4[%get3A_23, %get3A_24] : memref<256x16xf32, #tpu.memory_space<vmem>>, vector<256x16xf32>
    %get3A_26 = arith.constant 0 : index
    %get3A_27 = arith.constant 0 : index
    %get3A_28 = vector.load %arg10[%get3A_26, %get3A_27] : memref<16x512xf32, #tpu.memory_space<vmem>>, vector<16x512xf32>
    %dot_general3A_29 = arith.constant dense<0.000000e+00> : vector<256x512xf32>
    %dot_general3A_30 = tpu.matmul %get3A_25, %get3A_28, %dot_general3A_29 {dimension_numbers = #tpu.dot_dimension_numbers<[1], [0], [0], [1], [0, 0, 1, 1], [], []>, transpose_lhs_hint = false} : vector<256x16xf32>, vector<16x512xf32>, vector<256x512xf32> -> vector<256x512xf32>
    %add3A_31 = arith.addf %add3A_22, %dot_general3A_30 : vector<256x512xf32>
    %get3A_32 = arith.constant 0 : index
    %get3A_33 = arith.constant 0 : index
    %get3A_34 = vector.load %arg5[%get3A_32, %get3A_33] : memref<256x16xf32, #tpu.memory_space<vmem>>, vector<256x16xf32>
    %get3A_35 = arith.constant 0 : index
    %get3A_36 = arith.constant 0 : index
    %get3A_37 = vector.load %arg11[%get3A_35, %get3A_36] : memref<16x512xf32, #tpu.memory_space<vmem>>, vector<16x512xf32>
    %dot_general3A_38 = arith.constant dense<0.000000e+00> : vector<256x512xf32>
    %dot_general3A_39 = tpu.matmul %get3A_34, %get3A_37, %dot_general3A_38 {dimension_numbers = #tpu.dot_dimension_numbers<[1], [0], [0], [1], [0, 0, 1, 1], [], []>, transpose_lhs_hint = false} : vector<256x16xf32>, vector<16x512xf32>, vector<256x512xf32> -> vector<256x512xf32>
    %add3A_40 = arith.addf %add3A_31, %dot_general3A_39 : vector<256x512xf32>
    %get3A_41 = arith.constant 0 : index
    %get3A_42 = arith.constant 0 : index
    %get3A_43 = vector.load %arg6[%get3A_41, %get3A_42] : memref<256x16xf32, #tpu.memory_space<vmem>>, vector<256x16xf32>
    %get3A_44 = arith.constant 0 : index
    %get3A_45 = arith.constant 0 : index
    %get3A_46 = vector.load %arg12[%get3A_44, %get3A_45] : memref<16x512xf32, #tpu.memory_space<vmem>>, vector<16x512xf32>
    %dot_general3A_47 = arith.constant dense<0.000000e+00> : vector<256x512xf32>
    %dot_general3A_48 = tpu.matmul %get3A_43, %get3A_46, %dot_general3A_47 {dimension_numbers = #tpu.dot_dimension_numbers<[1], [0], [0], [1], [0, 0, 1, 1], [], []>, transpose_lhs_hint = false} : vector<256x16xf32>, vector<16x512xf32>, vector<256x512xf32> -> vector<256x512xf32>
    %add3A_49 = arith.addf %add3A_40, %dot_general3A_48 : vector<256x512xf32>
    %get3A_50 = arith.constant 0 : index
    %get3A_51 = arith.constant 0 : index
    %get3A_52 = vector.load %arg13[%get3A_50, %get3A_51] : memref<1x512xf32, #tpu.memory_space<vmem>>, vector<1x512xf32>
    %add3A_53 = vector.broadcast %get3A_52 : vector<1x512xf32> to vector<256x512xf32>
    %add3A_54 = arith.addf %add3A_49, %add3A_53 : vector<256x512xf32>
    %max3A = arith.constant 0.000000e+00 : f32
    %max3A_55 = vector.broadcast %max3A : f32 to vector<256x512xf32>
    %max3A_56 = arith.maximumf %add3A_54, %max3A_55 : vector<256x512xf32>
    %convert_element_type3A = arith.truncf %max3A_56 : vector<256x512xf32> to vector<256x512xbf16>
    %get3A_57 = arith.constant 0 : index
    %get3A_58 = arith.constant 0 : index
    %get3A_59 = vector.load %arg14[%get3A_57, %get3A_58] : memref<512x3392xbf16, #tpu.memory_space<vmem>>, vector<512x3392xbf16>
    %dot_general3A_60 = arith.constant dense<0.000000e+00> : vector<256x3392xf32>
    %dot_general3A_61 = tpu.matmul %convert_element_type3A, %get3A_59, %dot_general3A_60 {dimension_numbers = #tpu.dot_dimension_numbers<[1], [0], [0], [1], [0, 0, 1, 1], [], []>, transpose_lhs_hint = false} : vector<256x512xbf16>, vector<512x3392xbf16>, vector<256x3392xf32> -> vector<256x3392xf32>
    %get3A_62 = arith.constant 0 : index
    %get3A_63 = arith.constant 0 : index
    %get3A_64 = vector.load %arg15[%get3A_62, %get3A_63] : memref<1x3392xf32, #tpu.memory_space<vmem>>, vector<1x3392xf32>
    %add3A_65 = vector.broadcast %get3A_64 : vector<1x3392xf32> to vector<256x3392xf32>
    %add3A_66 = arith.addf %dot_general3A_61, %add3A_65 : vector<256x3392xf32>
    %reduce_max3A = arith.constant dense<0xFF800000> : vector<256xf32>
    %reduce_max3A_67 = vector.multi_reduction <maximumf>, %add3A_66, %reduce_max3A [1] : vector<256x3392xf32> to vector<256xf32>
    %broadcast_in_dim3A = vector.shape_cast %reduce_max3A_67 : vector<256xf32> to vector<256x1xf32>
    %sub3A = vector.broadcast %broadcast_in_dim3A : vector<256x1xf32> to vector<256x3392xf32>
    %sub3A_68 = arith.subf %add3A_66, %sub3A : vector<256x3392xf32>
    %exp3A = math.exp %sub3A_68 : vector<256x3392xf32>
    %reduce_sum3A = arith.constant dense<0.000000e+00> : vector<256xf32>
    %reduce_sum3A_69 = vector.multi_reduction <add>, %exp3A, %reduce_sum3A [1] : vector<256x3392xf32> to vector<256xf32>
    %broadcast_in_dim3A_70 = vector.shape_cast %reduce_sum3A_69 : vector<256xf32> to vector<256x1xf32>
    %div3A = vector.broadcast %broadcast_in_dim3A_70 : vector<256x1xf32> to vector<256x3392xf32>
    %div3A_71 = arith.divf %exp3A, %div3A : vector<256x3392xf32>
    %swap3A = arith.constant 0 : index
    %swap3A_72 = arith.constant 0 : index
    %swap3A_73 = vector.load %arg16[%swap3A, %swap3A_72] : memref<256x3392xf32, #tpu.memory_space<vmem>>, vector<256x3392xf32>
    tpu.vector_store %arg16[%swap3A, %swap3A_72], %div3A_71 {strides = array<i32>} : memref<256x3392xf32, #tpu.memory_space<vmem>>, vector<256x3392xf32>,
    return
  }
  func.func @transform_0(%arg0: i32) -> (i32, i32) {
    %c0_i32 = arith.constant 0 : i32
    %c0_i32_0 = arith.constant 0 : i32
    return %arg0, %c0_i32 : i32, i32
  }
  func.func @transform_1(%arg0: i32) -> (i32, i32) {
    %c0_i32 = arith.constant 0 : i32
    %c0_i32_0 = arith.constant 0 : i32
    return %arg0, %c0_i32 : i32, i32
  }
  func.func @transform_2(%arg0: i32) -> (i32, i32) {
    %c0_i32 = arith.constant 0 : i32
    %c0_i32_0 = arith.constant 0 : i32
    return %arg0, %c0_i32 : i32, i32
  }
  func.func @transform_3(%arg0: i32) -> (i32, i32) {
    %c0_i32 = arith.constant 0 : i32
    %c0_i32_0 = arith.constant 0 : i32
    return %arg0, %c0_i32 : i32, i32
  }
  func.func @transform_4(%arg0: i32) -> (i32, i32) {
    %c0_i32 = arith.constant 0 : i32
    %c0_i32_0 = arith.constant 0 : i32
    return %arg0, %c0_i32 : i32, i32
  }
  func.func @transform_5(%arg0: i32) -> (i32, i32) {
    %c0_i32 = arith.constant 0 : i32
    %c0_i32_0 = arith.constant 0 : i32
    return %arg0, %c0_i32 : i32, i32
  }
  func.func @transform_6(%arg0: i32) -> (i32, i32) {
    %c0_i32 = arith.constant 0 : i32
    %c0_i32_0 = arith.constant 0 : i32
    %c0_i32_1 = arith.constant 0 : i32
    return %c0_i32, %c0_i32_0 : i32, i32
  }
  func.func @transform_7(%arg0: i32) -> (i32, i32) {
    %c0_i32 = arith.constant 0 : i32
    %c0_i32_0 = arith.constant 0 : i32
    %c0_i32_1 = arith.constant 0 : i32
    return %c0_i32, %c0_i32_0 : i32, i32
  }
  func.func @transform_8(%arg0: i32) -> (i32, i32) {
    %c0_i32 = arith.constant 0 : i32
    %c0_i32_0 = arith.constant 0 : i32
    %c0_i32_1 = arith.constant 0 : i32
    return %c0_i32, %c0_i32_0 : i32, i32
  }
  func.func @transform_9(%arg0: i32) -> (i32, i32) {
    %c0_i32 = arith.constant 0 : i32
    %c0_i32_0 = arith.constant 0 : i32
    %c0_i32_1 = arith.constant 0 : i32
    return %c0_i32, %c0_i32_0 : i32, i32
  }
  func.func @transform_10(%arg0: i32) -> (i32, i32) {
    %c0_i32 = arith.constant 0 : i32
    %c0_i32_0 = arith.constant 0 : i32
    %c0_i32_1 = arith.constant 0 : i32
    return %c0_i32, %c0_i32_0 : i32, i32
  }
  func.func @transform_11(%arg0: i32) -> (i32, i32) {
    %c0_i32 = arith.constant 0 : i32
    %c0_i32_0 = arith.constant 0 : i32
    %c0_i32_1 = arith.constant 0 : i32
    return %c0_i32, %c0_i32_0 : i32, i32
  }
  func.func @transform_12(%arg0: i32) -> (i32, i32) {
    %c0_i32 = arith.constant 0 : i32
    %c0_i32_0 = arith.constant 0 : i32
    %c0_i32_1 = arith.constant 0 : i32
    return %c0_i32, %c0_i32_0 : i32, i32
  }
  func.func @transform_13(%arg0: i32) -> (i32, i32) {
    %c0_i32 = arith.constant 0 : i32
    %c0_i32_0 = arith.constant 0 : i32
    %c0_i32_1 = arith.constant 0 : i32
    return %c0_i32, %c0_i32_0 : i32, i32
  }
  func.func @transform_14(%arg0: i32) -> (i32, i32) {
    %c0_i32 = arith.constant 0 : i32
    %c0_i32_0 = arith.constant 0 : i32
    %c0_i32_1 = arith.constant 0 : i32
    return %c0_i32, %c0_i32_0 : i32, i32
  }
  func.func @transform_15(%arg0: i32) -> (i32, i32) {
    %c0_i32 = arith.constant 0 : i32
    %c0_i32_0 = arith.constant 0 : i32
    return %arg0, %c0_i32 : i32, i32
  }
}

</mosaic_0001>

<sc_bundles>
// kernel: kernel.4.cloned.1.call-start
scs
__scs_entry_jumppad:
0x0: {  	(pc) =	sbr.rel $0x88, $3  }
0x1: {  	(tag) =	ssettag $0x0;
	lr =	simm.s32 $0x1  }
0x2: {  	[smem:$0x3F92] =	sst lr;
	_ =	strace $0xD0000000  }
0x3: {  	_ = 	snop  }
0x4: {  	_ = 	snop  }
0x5: {  	_ = 	snop  }
0x6: {  	_ = 	snop  }
0x7: {  	_ = 	snop  }
__scs_overlays_trampoline_lowered:
0x8: {  	[smem:$0x3FA1] =	sst s0  }
0x9: {  	[smem:$0x3FA2] =	sst s1  }
0xa: {  	[smem:$0x3FA3] =	sst s2  }
0xb: {  	[smem:$0x3FA4] =	sst s3  }
0xc: {  	[smem:$0x3FA5] =	sst s4  }
0xd: {  	[smem:$0x3FA6] =	sst s5  }
0xe: {  	[smem:$0x3FA7] =	sst s6  }
0xf: {  	[smem:$0x3FA8] =	sst s7  }
0x10: {  	[smem:$0x3FA9] =	sst s8  }
0x11: {  	[smem:$0x3FAA] =	sst s9;
	s0 =	simm.s32 @!p0 $0x0  }
0x12: {  	s1 =	sld [smem:$0x3F90];
	s0 =	simm.s32 @p0 $0x1  }
0x13: {  	[smem:$0x3FAB] =	sst s0;
	s0 =	simm.s32 @!p1 $0x0  }
0x14: {  	s2 =	sld [smem:$0x3F8F];
	s0 =	simm.s32 @p1 $0x1  }
0x15: {  	[smem:$0x3FAC] =	sst s0;
	s0 =	simm.s32 @!p2 $0x0  }
0x16: {  	s3 =	sld [smem:$0x3FDB];
	s0 =	simm.s32 @p2 $0x1  }
0x17: {  	s4 =	simm.s32 $0x1BF5;
	[smem:$0x3FAE] =	sst s0  }
0x18: {  	s0 =	sld [smem:$0x3F91];
	_ =	swait.ge [sflag:s4], $0x0  }
0x19: {  	s7 =	sld [smem:$0x3F92]  }
0x1a: {  	s8 =	sadd.s32 $0xFFFFE003, lr  }
0x1b: {  	s9 =	sadd.s32 $0xFFFFFEF7, lr;
	s5 =	simm.s32 $0xFFFFFFFF;
	p2 =	slt.u32 s8, $0xFFFFF086  }
0x1c: {  	p1 =	slt.u32 s9, $0xF7A;
	s5 =	simm.s32 @!p2 $0x0  }
0x1d: {  	s5 =	simm.s32 @p1 $0x1;
	p0 =	seq.s32 s7, s2  }
0x1e: {  	s7 =	smul.u32 @!p0 $0xF7A, s2;
	p2 =	seq.s32 @!p0 s5, $0x0  }
0x1f: {  	s9 =	smul.u32 $0xF7A, s1;
	s8 =	simm.s32 @!p0 $0x1BF5;
	p2 =	por !p2, p0  }
0x20: {  	[sflag:s8] =	ssyncset.s32 @!p0 $0xFFFFF086;
	s6 =	sadd.s32 @!p0 s3, s7;
	s7 =	simm.s32 @!p0 $0x108  }
0x21: {  	s3 =	sadd.s32 s3, s9;
	s6 =	sadd.s32 @!p0 $0x88, s6;
	s7 =	simm.s32 @p2 $0x1082  }
0x22: {  	[simem:s7], [sflag:s8] =	dma.local @!p0 [hbm:s6], $0xF7A  }
0x23: {  	s9 =	sor.u32 $0xD0000000, s2;
	s6 =	simm.s32 $0x108;
	_ =	swait.ge @!p0 [sflag:s8], $0x0  }
0x24: {  	s3 =	sadd.s32 $0x88, s3;
	s6 =	simm.s32 @!p1 $0x1082;
	[sflag:s4] =	ssyncset.s32 $0xFFFFF086  }
0x25: {  	[simem:s6], [sflag:s4] =	dma.local [hbm:s3], $0xF7A  }
0x26: {  	[smem:$0x3F92] =	sst s1;
	(tag) =	ssettag s2;
	_ =	strace s9  }
0x27: {  	s1 =	sld [smem:$0x3FA2]  }
0x28: {  	s2 =	sld [smem:$0x3FA3]  }
0x29: {  	s4 =	sld [smem:$0x3FA5]  }
0x2a: {  	p0 =	seq.s32 s5, $0x0;
	s5 =	sld [smem:$0x3FA6]  }
0x2b: {  	s6 =	sld [smem:$0x3FA7]  }
0x2c: {  	s7 =	sld [smem:$0x3FA8]  }
0x2d: {  	s3 =	simm.s32 $0x108;
	s8 =	sld [smem:$0x3FA9]  }
0x2e: {  	s3 =	simm.s32 @!p0 $0x1082;
	s9 =	sld [smem:$0x3FAA]  }
0x2f: {  	lr =	sadd.s32 s0, s3;
	s0 =	sld [smem:$0x3FA1]  }
0x30: {  	s3 =	sld [smem:$0x3FA4]  }
0x31: {  	[smem:$0x3FAD] =	sst s10  }
0x32: {  	s10 =	sld [smem:$0x3FAB];
	_ =	sdelay $0x3  }
0x33: {  	p0 =	seq.s32 s10, $0x1;
	s10 =	sld [smem:$0x3FAD];
	_ =	sdelay $0x3  }
0x34: {  	[smem:$0x3FAD] =	sst s10  }
0x35: {  	s10 =	sld [smem:$0x3FAC];
	_ =	sdelay $0x3  }
0x36: {  	p1 =	seq.s32 s10, $0x1;
	s10 =	sld [smem:$0x3FAD];
	_ =	sdelay $0x3  }
0x37: {  	[smem:$0x3FAD] =	sst s10  }
0x38: {  	s10 =	sld [smem:$0x3FAE]  }
0x39: {  	_ = 	snop;
	(pc) =	sbr.ind lr, $3  }
0x3a: {  	_ = 	snop  }
0x3b: {  	_ = 	snop  }
0x3c: {  	p2 =	seq.s32 s10, $0x1;
	s10 =	sld [smem:$0x3FAD]  }
0x3d: {  	_ =	shalt  }
0x3e: {  	_ =	shalt  }
0x3f: {  	_ =	shalt  }
0x40: {  	_ =	shalt  }
0x41: {  	_ =	shalt  }
0x42: {  	_ =	shalt  }
0x43: {  	_ =	shalt  }
0x44: {  	_ =	shalt  }
0x45: {  	_ =	shalt  }
0x46: {  	_ =	shalt  }
0x47: {  	_ =	shalt  }
0x48: {  	_ =	shalt  }
0x49: {  	_ =	shalt  }
0x4a: {  	_ =	shalt  }
0x4b: {  	_ =	shalt  }
0x4c: {  	_ =	shalt  }
0x4d: {  	_ =	shalt  }
0x4e: {  	_ =	shalt  }
0x4f: {  	_ =	shalt  }
0x50: {  	_ =	shalt  }
0x51: {  	_ =	shalt  }
0x52: {  	_ =	shalt  }
0x53: {  	_ =	shalt  }
0x54: {  	_ =	shalt  }
0x55: {  	_ =	shalt  }
0x56: {  	_ =	shalt  }
0x57: {  	_ =	shalt  }
0x58: {  	_ =	shalt  }
0x59: {  	_ =	shalt  }
0x5a: {  	_ =	shalt  }
0x5b: {  	_ =	shalt  }
0x5c: {  	_ =	shalt  }
0x5d: {  	_ =	shalt  }
0x5e: {  	_ =	shalt  }
0x5f: {  	_ =	shalt  }
0x60: {  	_ =	shalt  }
0x61: {  	_ =	shalt  }
0x62: {  	_ =	shalt  }
0x63: {  	_ =	shalt  }
0x64: {  	_ =	shalt  }
0x65: {  	_ =	shalt  }
0x66: {  	_ =	shalt  }
0x67: {  	_ =	shalt  }
0x68: {  	_ =	shalt  }
0x69: {  	_ =	shalt  }
0x6a: {  	_ =	shalt  }
0x6b: {  	_ =	shalt  }
0x6c: {  	_ =	shalt  }
0x6d: {  	_ =	shalt  }
0x6e: {  	_ =	shalt  }
0x6f: {  	_ =	shalt  }
0x70: {  	_ =	shalt  }
0x71: {  	_ =	shalt  }
0x72: {  	_ =	shalt  }
0x73: {  	_ =	shalt  }
0x74: {  	_ =	shalt  }
0x75: {  	_ =	shalt  }
0x76: {  	_ =	shalt  }
0x77: {  	_ =	shalt  }
0x78: {  	_ =	shalt  }
0x79: {  	_ =	shalt  }
0x7a: {  	_ =	shalt  }
0x7b: {  	_ =	shalt  }
0x7c: {  	_ =	shalt  }
0x7d: {  	_ =	shalt  }
0x7e: {  	_ =	shalt  }
0x7f: {  	_ =	shalt  }
0x80: {  	_ =	shalt  }
0x81: {  	_ =	shalt  }
0x82: {  	_ =	shalt  }
0x83: {  	_ =	shalt  }
0x84: {  	_ =	shalt  }
0x85: {  	_ =	shalt  }
0x86: {  	_ =	shalt  }
0x87: {  	_ =	shalt  }
.Lfunc_end0:
.L_simem_size_0:
called_computation_lowered:
.L_overlay_start_0:
0x88: {  	s2 =	sld [smem:$0x3FD9]  }
0x89: {  	s3 =	sld [smem:$0x3FFE];
	_ =	sdelay $0x1  }
0x8a: {  	s1 =	srdreg.scid  }
0x8b: {  	s0 =	sand.u32 $0x1, s1  }
0x8c: {  	s17 =	sshll.u32 s0, $0xA;
	s2 =	sadd.s32 s3, s2  }
0x8d: {  	s2 =	sadd.s32 s2, s17  }
0x8e: {  	[smem:$0x3FB9] =	sst s2  }
0x8f: {  	_ = 	snop  }
0x90: {  	s2 =	sld [smem:$0x3FC8]  }
0x91: {  	s18 =	sld [smem:$0x3FC7]  }
0x92: {  	s4 =	sld [smem:$0x3FC6]  }
0x93: {  	s5 =	sld [smem:$0x3FC5]  }
0x94: {  	s6 =	sld [smem:$0x3FC4]  }
0x95: {  	s7 =	sld [smem:$0x3FD0];
	(tm) =	ssettm $0x1  }
0x96: {  	s8 =	sld [smem:$0x3FFB];
	_ =	sdelay $0x3  }
0x97: {  	_ =	strace s8  }
0x98: {  	s8 =	sld [smem:$0x3FFC];
	_ =	sdelay $0x3  }
0x99: {  	_ =	strace s8  }
0x9a: {  	s8 =	sld [smem:$0x3FFD];
	_ =	sdelay $0x3  }
0x9b: {  	_ =	strace s8  }
0x9c: {  	_ =	strace $0x8FFFFFFF  }
0x9d: {  	s19 =	sld [smem:$0x3FDB];
	_ =	sdelay $0x1  }
0x9e: {  	s9 =	simm.s32 $_scs_section_size  }
0x9f: {  	s10 =	simm.s32 $_size__tile_overlayer_lowered;
	s11 =	simm.s32 $_tile_overlayer_lowered  }
0xa0: {  	s22 =	simm.s32 $0x1BFF;
	s21 =	sshll.u32 s11, $0x1;
	s8 =	sadd.s32 s9, s19  }
0xa1: {  	s12 =	simm.s32 $0x0;
	s20 =	sshll.u32 s10, $0x1;
	s10 =	sadd.s32 s21, s8  }
0xa2: {  	[timem:s12], [sflag:s22] =	dma.local [hbm:s10], s20  }
0xa3: {  	_ =	swait.ge [sflag:s22], s20  }
0xa4: {  	s9 =	ssub.s32 $0x0, s20;
	[sflag:s22] =	ssyncset.done $0x0  }
0xa5: {  	[sflag:s22] =	ssyncadd.s32 s9;
	_ =	sdelay $0x1  }
0xa6: {  	s23 =	simm.s32 $0x1B8B  }
0xa7: {  	_ =	swait.ge [sflag:s23], $0x1  }
0xa8: {  	[sflag:s23] =	ssyncset.done $0x0  }
0xa9: {  	s25 =	simm.s32 $0x1B8E;
	s24 =	sld [smem:$0x3FFE];
	[sflag:s23] =	ssyncadd.s32 $0xFFFFFFFF  }
0xaa: {  	s26 =	simm.s32 $execute0_lowered;
	[smem:$0x3FD2] =	sst s25  }
0xab: {  	s10 =	sshll.u32 s26, $0x1;
	_ =	strace $0x80000046;
	[dreg:$0x1] =	wrdreg $0xFFFFFFFF  }
0xac: {  	s28 =	simm.s32 $_size_execute0_lowered;
	s8 =	sadd.s32 s8, s10;
	[dreg:$0x0] =	wrdreg $0x0  }
0xad: {  	s10 =	sshll.u32 s28, $0x1;
	[dreg:$0x2] =	wrdreg s8  }
0xae: {  	[dreg:$0x3] =	wrdreg s10  }
0xaf: {  	[dreg:$0x4] =	wrdreg $0xC0  }
0xb0: {  	_ =	task [dreg:s12], $0x5FFFF  }
0xb1: {  	[dreg:$0x1] =	wrdreg $0xFFFFFFFF  }
0xb2: {  	[dreg:$0x0] =	wrdreg $0x60  }
0xb3: {  	[dreg:$0x2] =	wrdreg s24  }
0xb4: {  	[dreg:$0x3] =	wrdreg s7  }
0xb5: {  	[dreg:$0x4] =	wrdreg s2  }
0xb6: {  	[dreg:$0x5] =	wrdreg s18  }
0xb7: {  	[dreg:$0x6] =	wrdreg s4  }
0xb8: {  	[dreg:$0x7] =	wrdreg s5  }
0xb9: {  	[dreg:$0x8] =	wrdreg s6  }
0xba: {  	[dreg:$0x9] =	wrdreg $0x9  }
0xbb: {  	_ =	task.clear_ibuf [dreg:s12], $0xAFFFF;
	_ =	strace $0x90000046  }
0xbc: {  	s29 =	simm.s32 $0x9;
	_ =	strace $0x80000048  }
0xbd: {  	_ =	swait.ge [sflag:s29], $0x1  }
0xbe: {  	[sflag:s29] =	ssyncadd.s32 $0xFFFFFFFF  }
0xbf: {  	_ =	strace $0x90000048  }
0xc0: {  	_ =	sfence  }
0xc1: {  	s30 =	sld [smem:$0x0];
	_ =	sdelay $0x2  }
0xc2: {  	s31 =	sshll.u32 s1, $0xD;
	s1 =	sshrl.u32 s1, $0x2  }
0xc3: {  	s3 =	sand.u32 $0x4000, s31;
	s1 =	sadd.s32 s1, s30  }
0xc4: {  	s0 =	sor.u32 s3, s0;
	s1 =	sshll.u32 s1, $0x11  }
0xc5: {  	s0 =	sor.u32 s1, s0  }
0xc6: {  	s0 =	sadd.s32 $0x8F2B, s0  }
0xc7: {  	[sflag:s0] =	ssyncadd.remote.s32 $0x1  }
0xc8: {  	_ =	sfence.sel $0xFFFF  }
0xc9: {  	[dreg:$0x0] =	wrdreg $0xFFFFFFFF;
	(pc) =	sbr.abs _section_cstart, $3  }
0xca: {  	[dreg:$0x1] =	wrdreg $0xFFFFFFFF  }
0xcb: {  	_ =	task.clear_ibuf [dreg:s12], $0x2FFFF;
	_ =	strace $0x9FFFFFFF  }
0xcc: {  	(tm) =	ssettm $0x7FFFFFFF  }
0xcd: {  	_ =	shalt  }
tec
execute0_lowered:
.L_overlay_start_1:
0x0: {  	(tag) =	ssettag $0x1  }
0x1: {  	s23 =	rddreg [dreg:$0x0]  }
0x2: {  	s2 =	rddreg [dreg:$0x1]  }
0x3: {  	s4 =	rddreg [dreg:$0x2]  }
0x4: {  	s5 =	rddreg [dreg:$0x3]  }
0x5: {  	s6 =	rddreg [dreg:$0x4]  }
0x6: {  	s7 =	rddreg [dreg:$0x5]  }
0x7: {  	s1 =	srdreg.scid;
	s8 =	rddreg [dreg:$0x6];
	s3 =	simm.s32 $0x0  }
0x8: {  	s0 =	stileid.u32;
	s25 =	simm.s32 $0x1200;
	[smem:$0x7FF] =	sst s3  }
0x9: {  	s26 =	simm.s32 $0x100;
	_ =	strace $0x80000047;
	[dreg:$0x12] =	wrdreg s25  }
0xa: {  	s9 =	sshll.u32 s0, $0xA;
	s0 =	simm.s32 $0x1A00;
	[dreg:$0x13] =	wrdreg s26  }
0xb: {  	s20 =	sand.u32 $0x1, s1;
	s1 =	simm.s32 $0x180;
	[dreg:$0x14] =	wrdreg s0  }
0xc: {  	s11 =	simm.s32 $0x4200;
	[dreg:$0x15] =	wrdreg s1  }
0xd: {  	s12 =	simm.s32 $0x480;
	s10 =	sshll.u32 s20, $0x9;
	[dreg:$0x1c] =	wrdreg s11  }
0xe: {  	[dreg:$0x1d] =	wrdreg s12;
	s9 =	sor.u32 s10, s9  }
0xf: {  	s10 =	sshrl.u32 s9, $0x3;
	s15 =	sshll.u32 s9, $0x1;
	s9 =	simm.s32 $0x3A00  }
0x10: {  	s4 =	sadd.s32 s4, s10;
	[dreg:$0x1a] =	wrdreg s9  }
0x11: {  	s13 =	sadd.s32 s5, s10;
	[dreg:$0x8] =	wrdreg s4  }
0x12: {  	s14 =	sadd.s32 s6, s10;
	[dreg:$0x9] =	wrdreg s13  }
0x13: {  	s16 =	sadd.s32 s7, s10;
	[dreg:$0xa] =	wrdreg s14  }
0x14: {  	s17 =	sadd.s32 s8, s10;
	[dreg:$0xb] =	wrdreg s16  }
0x15: {  	s6 =	simm.s32 $0x280;
	[dreg:$0xc] =	wrdreg s17  }
0x16: {  	s7 =	simm.s32 $0x3200;
	[dreg:$0x17] =	wrdreg s6  }
0x17: {  	s8 =	simm.s32 $0x300;
	[dreg:$0x18] =	wrdreg s7  }
0x18: {  	s10 =	simm.s32 $0x380;
	[dreg:$0x19] =	wrdreg s8  }
0x19: {  	s5 =	sadd.s32 s15, s23;
	s15 =	simm.s32 $0x5A00;
	[dreg:$0x1b] =	wrdreg s10  }
0x1a: {  	s18 =	sadd.s32 $0xB400, s5;
	[smem:$0x7FB] =	sst s15  }
0x1b: {  	s19 =	sadd.s32 $0x3400, s5;
	[dreg:$0xd] =	wrdreg s18  }
0x1c: {  	s21 =	sadd.s32 $0x13400, s5;
	[dreg:$0xe] =	wrdreg s19  }
0x1d: {  	s22 =	sadd.s32 $0x1B400, s5;
	[dreg:$0xf] =	wrdreg s21  }
0x1e: {  	s24 =	sadd.s32 $0x23400, s5;
	[dreg:$0x10] =	wrdreg s22  }
0x1f: {  	s5 =	simm.s32 $0x2200;
	[dreg:$0x11] =	wrdreg s24  }
0x20: {  	s13 =	simm.s32 $0x5200;
	[dreg:$0x16] =	wrdreg s5  }
0x21: {  	s14 =	simm.s32 $0x500;
	[dreg:$0x1e] =	wrdreg s13  }
0x22: {  	[dreg:$0x1f] =	wrdreg s14  }
0x23: {  	s16 =	simm.s32 $0x580;
	s17 =	rddreg [dreg:$0x8]  }
0x24: {  	[smem:$0x7FD] =	sst s16  }
0x25: {  	s18 =	rddreg [dreg:$0x9]  }
0x26: {  	[tilespmem:s3], [sflag:$0x1] =	stream.linear.gather [hbm4b:s17+s3], $0x200, $0x38;
	[tilespmem:$0xAA00] =	vst v63  }
0x27: {  	s4 =	simm.s32 $0x200;
	s19 =	rddreg [dreg:$0xa]  }
0x28: {  	[tilespmem:s4], [sflag:$0x1] =	stream.linear.gather [hbm4b:s18+s3], $0x200, $0x38;
	[tilespmem:$0xAA00] =	vst v63  }
0x29: {  	s5 =	simm.s32 $0x400;
	s21 =	rddreg [dreg:$0xb]  }
0x2a: {  	[tilespmem:s5], [sflag:$0x1] =	stream.linear.gather [hbm4b:s19+s3], $0x200, $0x38;
	[tilespmem:$0xAA00] =	vst v63  }
0x2b: {  	s7 =	simm.s32 $0x600;
	s22 =	simm.s32 $0x6200;
	s24 =	rddreg [dreg:$0xc]  }
0x2c: {  	[tilespmem:s7], [sflag:$0x1] =	stream.linear.gather [hbm4b:s21+s3], $0x200, $0x38;
	[tilespmem:$0xAA00] =	vst v63  }
0x2d: {  	s8 =	simm.s32 $0x800;
	s6 =	simm.s32 $0x1;
	[smem:$0x7FC] =	sst s22  }
0x2e: {  	[tilespmem:s8], [sflag:$0x1] =	stream.linear.gather [hbm4b:s24+s3], $0x200, $0x38;
	[tilespmem:$0xAA00] =	vst v63  }
0x2f: {  	_ =	swait.ge [sflag:s6], $0x200  }
0x30: {  	[sflag:s6] =	ssyncset.done $0x0  }
0x31: {  	[sflag:s6] =	ssyncadd.s32 $0xFFFFFE00  }
0x32: {  	_ =	swait.ge [sflag:s6], $0x200  }
0x33: {  	[sflag:s6] =	ssyncset.done $0x0  }
0x34: {  	[sflag:s6] =	ssyncadd.s32 $0xFFFFFE00  }
0x35: {  	_ =	swait.ge [sflag:s6], $0x200  }
0x36: {  	[sflag:s6] =	ssyncset.done $0x0  }
0x37: {  	[sflag:s6] =	ssyncadd.s32 $0xFFFFFE00  }
0x38: {  	_ =	swait.ge [sflag:s6], $0x200  }
0x39: {  	[sflag:s6] =	ssyncset.done $0x0  }
0x3a: {  	[sflag:s6] =	ssyncadd.s32 $0xFFFFFE00  }
0x3b: {  	_ =	swait.ge [sflag:s6], $0x200  }
0x3c: {  	s15 =	sld [smem:$0x7FB]  }
0x3d: {  	s13 =	rddreg [dreg:$0x1c]  }
0x3e: {  	s14 =	rddreg [dreg:$0x1a]  }
0x3f: {  	s16 =	rddreg [dreg:$0x18]  }
0x40: {  	s11 =	simm.s32 $0xA00;
	s12 =	rddreg [dreg:$0x13]  }
0x41: {  	s9 =	sadd.s32 $0x2C00, s23;
	[sflag:s6] =	ssyncset.done $0x0;
	s17 =	rddreg [dreg:$0x12]  }
0x42: {  	s10 =	simm.s32 $0x80;
	s18 =	rddreg [dreg:$0x14];
	[sflag:s6] =	ssyncadd.s32 $0xFFFFFE00  }
0x43: {  	[tilespmem:s11], [sflag:$0x1] =	stream.indirect.gather [hbm4b:s9+s10], $0x10, s3, s10, $0xb8;
	[tilespmem:$0xAA00] =	vst v63  }
0x44: {  	s19 =	rddreg [dreg:$0x16]  }
0x45: {  	[tilespmem:s17], [sflag:$0x1] =	stream.indirect.gather [hbm4b:s9+s10], $0x10, s10, s10, $0xb8;
	[tilespmem:$0xAA00] =	vst v63  }
0x46: {  	s25 =	rddreg [dreg:$0x15]  }
0x47: {  	[tilespmem:s18], [sflag:$0x1] =	stream.indirect.gather [hbm4b:s9+s10], $0x10, s12, s10, $0xb8;
	[tilespmem:$0xAA00] =	vst v63  }
0x48: {  	s26 =	sld [smem:$0x7FC]  }
0x49: {  	[tilespmem:s19], [sflag:$0x1] =	stream.indirect.gather [hbm4b:s9+s10], $0x10, s25, s10, $0xb8;
	[tilespmem:$0xAA00] =	vst v63  }
0x4a: {  	s0 =	rddreg [dreg:$0x17];
	s12 =	simm.s32 $0x2A00  }
0x4b: {  	[tilespmem:s12], [sflag:$0x1] =	stream.indirect.gather [hbm4b:s2+s10], $0x10, s4, s10, $0xb8;
	[tilespmem:$0xAA00] =	vst v63  }
0x4c: {  	s1 =	rddreg [dreg:$0x19]  }
0x4d: {  	[tilespmem:s16], [sflag:$0x1] =	stream.indirect.gather [hbm4b:s2+s10], $0x10, s0, s10, $0xb8;
	[tilespmem:$0xAA00] =	vst v63  }
0x4e: {  	s21 =	rddreg [dreg:$0x1d]  }
0x4f: {  	[tilespmem:s14], [sflag:$0x1] =	stream.indirect.gather [hbm4b:s2+s10], $0x10, s1, s10, $0xb8;
	[tilespmem:$0xAA00] =	vst v63  }
0x50: {  	s17 =	rddreg [dreg:$0x1b]  }
0x51: {  	[tilespmem:s13], [sflag:$0x1] =	stream.indirect.gather [hbm4b:s2+s10], $0x10, s17, s10, $0xb8;
	[tilespmem:$0xAA00] =	vst v63  }
0x52: {  	s22 =	rddreg [dreg:$0x1f];
	s14 =	simm.s32 $0x4A00;
	s13 =	sadd.s32 $0x2800, s23  }
0x53: {  	[tilespmem:s14], [sflag:$0x1] =	stream.indirect.gather [hbm4b:s13+s10], $0x10, s5, s10, $0xb8;
	[tilespmem:$0xAA00] =	vst v63  }
0x54: {  	s19 =	rddreg [dreg:$0x1e]  }
0x55: {  	[tilespmem:s19], [sflag:$0x1] =	stream.indirect.gather [hbm4b:s13+s10], $0x10, s21, s10, $0xb8;
	[tilespmem:$0xAA00] =	vst v63  }
0x56: {  	s24 =	sld [smem:$0x7FD]  }
0x57: {  	[tilespmem:s15], [sflag:$0x1] =	stream.indirect.gather [hbm4b:s13+s10], $0x10, s22, s10, $0xb8;
	[tilespmem:$0xAA00] =	vst v63  }
0x58: {  	_ = 	snop  }
0x59: {  	[tilespmem:s26], [sflag:$0x1] =	stream.indirect.gather [hbm4b:s13+s10], $0x10, s24, s10, $0xb8;
	[tilespmem:$0xAA00] =	vst v63  }
0x5a: {  	s16 =	simm.s32 $0x6A00;
	s15 =	sadd.s32 $0x2600, s23  }
0x5b: {  	[tilespmem:s16], [sflag:$0x1] =	stream.indirect.gather [hbm4b:s15+s10], $0x10, s7, s10, $0xb8;
	[tilespmem:$0xAA00] =	vst v63  }
0x5c: {  	s25 =	simm.s32 $0x680;
	s26 =	simm.s32 $0x7200  }
0x5d: {  	[tilespmem:s26], [sflag:$0x1] =	stream.indirect.gather [hbm4b:s15+s10], $0x10, s25, s10, $0xb8;
	[tilespmem:$0xAA00] =	vst v63  }
0x5e: {  	s18 =	simm.s32 $0x7A00;
	s17 =	simm.s32 $0x700  }
0x5f: {  	[tilespmem:s18], [sflag:$0x1] =	stream.indirect.gather [hbm4b:s15+s10], $0x10, s17, s10, $0xb8;
	[tilespmem:$0xAA00] =	vst v63  }
0x60: {  	s19 =	simm.s32 $0x780;
	s21 =	simm.s32 $0x8200  }
0x61: {  	[tilespmem:s21], [sflag:$0x1] =	stream.indirect.gather [hbm4b:s15+s10], $0x10, s19, s10, $0xb8;
	[tilespmem:$0xAA00] =	vst v63  }
0x62: {  	s23 =	sadd.s32 $0x2A00, s23;
	s24 =	simm.s32 $0x8A00  }
0x63: {  	[tilespmem:s24], [sflag:$0x1] =	stream.indirect.gather [hbm4b:s23+s10], $0x10, s8, s10, $0xb8;
	[tilespmem:$0xAA00] =	vst v63  }
0x64: {  	s22 =	simm.s32 $0x880;
	s25 =	simm.s32 $0x9200  }
0x65: {  	[tilespmem:s25], [sflag:$0x1] =	stream.indirect.gather [hbm4b:s23+s10], $0x10, s22, s10, $0xb8;
	[tilespmem:$0xAA00] =	vst v63  }
0x66: {  	s28 =	simm.s32 $0x900;
	s29 =	simm.s32 $0x9A00  }
0x67: {  	[tilespmem:s29], [sflag:$0x1] =	stream.indirect.gather [hbm4b:s23+s10], $0x10, s28, s10, $0xb8;
	[tilespmem:$0xAA00] =	vst v63  }
0x68: {  	s30 =	simm.s32 $0x980;
	s31 =	simm.s32 $0xA200  }
0x69: {  	[tilespmem:s31], [sflag:$0x1] =	stream.indirect.gather [hbm4b:s23+s10], $0x10, s30, s10, $0xb8;
	[tilespmem:$0xAA00] =	vst v63  }
0x6a: {  	_ =	swait.ge [sflag:s6], $0x800  }
0x6b: {  	[sflag:s6] =	ssyncset.done $0x0  }
0x6c: {  	[sflag:s6] =	ssyncadd.s32 $0xFFFFF800  }
0x6d: {  	_ =	swait.ge [sflag:s6], $0x800  }
0x6e: {  	[sflag:s6] =	ssyncset.done $0x0  }
0x6f: {  	[sflag:s6] =	ssyncadd.s32 $0xFFFFF800  }
0x70: {  	_ =	swait.ge [sflag:s6], $0x800  }
0x71: {  	[sflag:s6] =	ssyncset.done $0x0  }
0x72: {  	[sflag:s6] =	ssyncadd.s32 $0xFFFFF800  }
0x73: {  	_ =	swait.ge [sflag:s6], $0x800  }
0x74: {  	[sflag:s6] =	ssyncset.done $0x0  }
0x75: {  	[sflag:s6] =	ssyncadd.s32 $0xFFFFF800  }
0x76: {  	_ =	swait.ge [sflag:s6], $0x800  }
0x77: {  	[sflag:s6] =	ssyncset.done $0x0  }
0x78: {  	[sflag:s6] =	ssyncadd.s32 $0xFFFFF800  }
0x79: {  	_ =	swait.ge [sflag:s6], $0x800  }
0x7a: {  	[sflag:s6] =	ssyncset.done $0x0  }
0x7b: {  	[sflag:s6] =	ssyncadd.s32 $0xFFFFF800  }
0x7c: {  	_ =	swait.ge [sflag:s6], $0x800  }
0x7d: {  	[sflag:s6] =	ssyncset.done $0x0  }
0x7e: {  	[sflag:s6] =	ssyncadd.s32 $0xFFFFF800  }
0x7f: {  	_ =	swait.ge [sflag:s6], $0x800  }
0x80: {  	[sflag:s6] =	ssyncset.done $0x0  }
0x81: {  	[sflag:s6] =	ssyncadd.s32 $0xFFFFF800  }
0x82: {  	_ =	swait.ge [sflag:s6], $0x800  }
0x83: {  	[sflag:s6] =	ssyncset.done $0x0  }
0x84: {  	[sflag:s6] =	ssyncadd.s32 $0xFFFFF800  }
0x85: {  	_ =	swait.ge [sflag:s6], $0x800  }
0x86: {  	[sflag:s6] =	ssyncset.done $0x0  }
0x87: {  	[sflag:s6] =	ssyncadd.s32 $0xFFFFF800  }
0x88: {  	_ =	swait.ge [sflag:s6], $0x800  }
0x89: {  	[sflag:s6] =	ssyncset.done $0x0  }
0x8a: {  	[sflag:s6] =	ssyncadd.s32 $0xFFFFF800  }
0x8b: {  	_ =	swait.ge [sflag:s6], $0x800  }
0x8c: {  	[sflag:s6] =	ssyncset.done $0x0  }
0x8d: {  	[sflag:s6] =	ssyncadd.s32 $0xFFFFF800  }
0x8e: {  	_ =	swait.ge [sflag:s6], $0x800  }
0x8f: {  	[sflag:s6] =	ssyncset.done $0x0  }
0x90: {  	[sflag:s6] =	ssyncadd.s32 $0xFFFFF800  }
0x91: {  	_ =	swait.ge [sflag:s6], $0x800  }
0x92: {  	[sflag:s6] =	ssyncset.done $0x0  }
0x93: {  	[sflag:s6] =	ssyncadd.s32 $0xFFFFF800  }
0x94: {  	_ =	swait.ge [sflag:s6], $0x800  }
0x95: {  	[sflag:s6] =	ssyncset.done $0x0  }
0x96: {  	[sflag:s6] =	ssyncadd.s32 $0xFFFFF800  }
0x97: {  	_ =	swait.ge [sflag:s6], $0x800  }
0x98: {  	[sflag:s6] =	ssyncset.done $0x0  }
0x99: {  	[sflag:s6] =	ssyncadd.s32 $0xFFFFF800  }
0x9a: {  	_ =	swait.ge [sflag:s6], $0x800  }
0x9b: {  	[sflag:s6] =	ssyncset.done $0x0  }
0x9c: {  	[sflag:s6] =	ssyncadd.s32 $0xFFFFF800  }
0x9d: {  	_ =	swait.ge [sflag:s6], $0x800  }
0x9e: {  	[sflag:s6] =	ssyncset.done $0x0  }
0x9f: {  	[sflag:s6] =	ssyncadd.s32 $0xFFFFF800  }
0xa0: {  	_ =	swait.ge [sflag:s6], $0x800  }
0xa1: {  	[sflag:s6] =	ssyncset.done $0x0  }
0xa2: {  	[sflag:s6] =	ssyncadd.s32 $0xFFFFF800  }
0xa3: {  	_ =	swait.ge [sflag:s6], $0x800  }
0xa4: {  	[sflag:s6] =	ssyncset.done $0x0  }
0xa5: {  	s0 =	rddreg [dreg:$0xd];
	[sflag:s6] =	ssyncadd.s32 $0xFFFFF800  }
0xa6: {  	[hbm4b:s0+s3] =	stream.linear.scatter [tilespmem:s11], [sflag:$0x1], $0x2000, $0x38;
	[tilespmem:$0xAA00] =	vst v63  }
0xa7: {  	s17 =	rddreg [dreg:$0xe]  }
0xa8: {  	[hbm4b:s17+s3] =	stream.linear.scatter [tilespmem:s12], [sflag:$0x1], $0x2000, $0x38;
	[tilespmem:$0xAA00] =	vst v63  }
0xa9: {  	s18 =	rddreg [dreg:$0xf]  }
0xaa: {  	[hbm4b:s18+s3] =	stream.linear.scatter [tilespmem:s14], [sflag:$0x1], $0x2000, $0x38;
	[tilespmem:$0xAA00] =	vst v63  }
0xab: {  	s22 =	ssub.s32 $0x2, s20;
	s19 =	rddreg [dreg:$0x10]  }
0xac: {  	[hbm4b:s19+s3] =	stream.linear.scatter [tilespmem:s16], [sflag:$0x1], $0x2000, $0x38;
	[tilespmem:$0xAA00] =	vst v63  }
0xad: {  	s25 =	sshrl.u32 s22, $0x1;
	s21 =	rddreg [dreg:$0x11]  }
0xae: {  	[hbm4b:s21+s3] =	stream.linear.scatter [tilespmem:s24], [sflag:$0x1], $0x2000, $0x38;
	[tilespmem:$0xAA00] =	vst v63  }
0xaf: {  	s0 =	ssub.s32 s22, s25;
	_ =	swait.ge [sflag:s6], $0x2000  }
0xb0: {  	s0 =	smax.u32 s0, $0x1;
	[sflag:s6] =	ssyncset.done $0x0  }
0xb1: {  	p0 =	sne.s32 s0, $0x1;
	[sflag:s6] =	ssyncadd.s32 $0xFFFFE000  }
.Ltmp0:
0xb2: {  	_ =	swait.ge [sflag:s6], $0x2000;
	(pc) =	sbr.rel @!p0 .LBB2_2-.Ltmp0, $4  }
0xb3: {  	[sflag:s6] =	ssyncset.done $0x0  }
0xb4: {  	[sflag:s6] =	ssyncadd.s32 $0xFFFFE000  }
0xb5: {  	_ =	swait.ge [sflag:s6], $0x2000  }
0xb6: {  	s26 =	simm.s32 $0x9200;
	s1 =	sadd.s32 $0xFFFFFFFF, s0;
	[sflag:s6] =	ssyncset.done $0x0  }
.LBB2_1:
0xb7: {  	[sflag:s6] =	ssyncadd.s32 $0xFFFFE000  }
0xb8: {  	_ =	swait.ge [sflag:s6], $0x2000  }
0xb9: {  	[sflag:s6] =	ssyncset.done $0x0  }
0xba: {  	[sflag:s6] =	ssyncadd.s32 $0xFFFFE000  }
0xbb: {  	_ =	swait.ge [sflag:s6], $0x2000  }
0xbc: {  	[sflag:s6] =	ssyncset.done $0x0  }
0xbd: {  	s0 =	rddreg [dreg:$0x8];
	[sflag:s6] =	ssyncadd.s32 $0xFFFFE000  }
0xbe: {  	[tilespmem:s3], [sflag:$0x1] =	stream.linear.gather [hbm4b:s0+s3], $0x200, $0x38;
	[tilespmem:$0xAA00] =	vst v63  }
0xbf: {  	s17 =	rddreg [dreg:$0x9]  }
0xc0: {  	[tilespmem:s4], [sflag:$0x1] =	stream.linear.gather [hbm4b:s17+s3], $0x200, $0x38;
	[tilespmem:$0xAA00] =	vst v63  }
0xc1: {  	s19 =	rddreg [dreg:$0xa]  }
0xc2: {  	[tilespmem:s5], [sflag:$0x1] =	stream.linear.gather [hbm4b:s19+s3], $0x200, $0x38;
	[tilespmem:$0xAA00] =	vst v63  }
0xc3: {  	s20 =	rddreg [dreg:$0xb]  }
0xc4: {  	[tilespmem:s7], [sflag:$0x1] =	stream.linear.gather [hbm4b:s20+s3], $0x200, $0x38;
	[tilespmem:$0xAA00] =	vst v63  }
0xc5: {  	s21 =	rddreg [dreg:$0xc]  }
0xc6: {  	[tilespmem:s8], [sflag:$0x1] =	stream.linear.gather [hbm4b:s21+s3], $0x200, $0x38;
	[tilespmem:$0xAA00] =	vst v63  }
0xc7: {  	_ =	swait.ge [sflag:s6], $0x200  }
0xc8: {  	[sflag:s6] =	ssyncset.done $0x0  }
0xc9: {  	[sflag:s6] =	ssyncadd.s32 $0xFFFFFE00  }
0xca: {  	_ =	swait.ge [sflag:s6], $0x200  }
0xcb: {  	[sflag:s6] =	ssyncset.done $0x0  }
0xcc: {  	[sflag:s6] =	ssyncadd.s32 $0xFFFFFE00  }
0xcd: {  	_ =	swait.ge [sflag:s6], $0x200  }
0xce: {  	[sflag:s6] =	ssyncset.done $0x0  }
0xcf: {  	[sflag:s6] =	ssyncadd.s32 $0xFFFFFE00  }
0xd0: {  	_ =	swait.ge [sflag:s6], $0x200  }
0xd1: {  	[sflag:s6] =	ssyncset.done $0x0  }
0xd2: {  	[sflag:s6] =	ssyncadd.s32 $0xFFFFFE00  }
0xd3: {  	_ =	swait.ge [sflag:s6], $0x200  }
0xd4: {  	s0 =	sld [smem:$0x7FB]  }
0xd5: {  	s17 =	rddreg [dreg:$0x1c]  }
0xd6: {  	s18 =	rddreg [dreg:$0x1a]  }
0xd7: {  	s19 =	rddreg [dreg:$0x18]  }
0xd8: {  	s20 =	rddreg [dreg:$0x13]  }
0xd9: {  	[sflag:s6] =	ssyncset.done $0x0;
	s21 =	rddreg [dreg:$0x12]  }
0xda: {  	s22 =	rddreg [dreg:$0x14];
	[sflag:s6] =	ssyncadd.s32 $0xFFFFFE00  }
0xdb: {  	[tilespmem:s11], [sflag:$0x1] =	stream.indirect.gather [hbm4b:s9+s10], $0x10, s3, s10, $0xb8;
	[tilespmem:$0xAA00] =	vst v63  }
0xdc: {  	s25 =	rddreg [dreg:$0x16]  }
0xdd: {  	[tilespmem:s21], [sflag:$0x1] =	stream.indirect.gather [hbm4b:s9+s10], $0x10, s10, s10, $0xb8;
	[tilespmem:$0xAA00] =	vst v63  }
0xde: {  	s21 =	rddreg [dreg:$0x15]  }
0xdf: {  	[tilespmem:s22], [sflag:$0x1] =	stream.indirect.gather [hbm4b:s9+s10], $0x10, s20, s10, $0xb8;
	[tilespmem:$0xAA00] =	vst v63  }
0xe0: {  	s20 =	sld [smem:$0x7FC]  }
0xe1: {  	[tilespmem:s25], [sflag:$0x1] =	stream.indirect.gather [hbm4b:s9+s10], $0x10, s21, s10, $0xb8;
	[tilespmem:$0xAA00] =	vst v63  }
0xe2: {  	s22 =	rddreg [dreg:$0x17]  }
0xe3: {  	[tilespmem:s12], [sflag:$0x1] =	stream.indirect.gather [hbm4b:s2+s10], $0x10, s4, s10, $0xb8;
	[tilespmem:$0xAA00] =	vst v63  }
0xe4: {  	s25 =	rddreg [dreg:$0x19]  }
0xe5: {  	[tilespmem:s19], [sflag:$0x1] =	stream.indirect.gather [hbm4b:s2+s10], $0x10, s22, s10, $0xb8;
	[tilespmem:$0xAA00] =	vst v63  }
0xe6: {  	s21 =	rddreg [dreg:$0x1b]  }
0xe7: {  	[tilespmem:s18], [sflag:$0x1] =	stream.indirect.gather [hbm4b:s2+s10], $0x10, s25, s10, $0xb8;
	[tilespmem:$0xAA00] =	vst v63  }
0xe8: {  	s22 =	rddreg [dreg:$0x1f]  }
0xe9: {  	[tilespmem:s17], [sflag:$0x1] =	stream.indirect.gather [hbm4b:s2+s10], $0x10, s21, s10, $0xb8;
	[tilespmem:$0xAA00] =	vst v63  }
0xea: {  	s25 =	rddreg [dreg:$0x1e]  }
0xeb: {  	[tilespmem:s14], [sflag:$0x1] =	stream.indirect.gather [hbm4b:s13+s10], $0x10, s5, s10, $0xb8;
	[tilespmem:$0xAA00] =	vst v63  }
0xec: {  	s21 =	rddreg [dreg:$0x1d]  }
0xed: {  	[tilespmem:s25], [sflag:$0x1] =	stream.indirect.gather [hbm4b:s13+s10], $0x10, s21, s10, $0xb8;
	[tilespmem:$0xAA00] =	vst v63  }
0xee: {  	s25 =	sld [smem:$0x7FD]  }
0xef: {  	[tilespmem:s0], [sflag:$0x1] =	stream.indirect.gather [hbm4b:s13+s10], $0x10, s22, s10, $0xb8;
	[tilespmem:$0xAA00] =	vst v63  }
0xf0: {  	_ = 	snop  }
0xf1: {  	[tilespmem:s20], [sflag:$0x1] =	stream.indirect.gather [hbm4b:s13+s10], $0x10, s25, s10, $0xb8;
	[tilespmem:$0xAA00] =	vst v63  }
0xf2: {  	_ = 	snop  }
0xf3: {  	[tilespmem:s16], [sflag:$0x1] =	stream.indirect.gather [hbm4b:s15+s10], $0x10, s7, s10, $0xb8;
	[tilespmem:$0xAA00] =	vst v63  }
0xf4: {  	s19 =	simm.s32 $0x7200;
	s18 =	simm.s32 $0x680  }
0xf5: {  	[tilespmem:s19], [sflag:$0x1] =	stream.indirect.gather [hbm4b:s15+s10], $0x10, s18, s10, $0xb8;
	[tilespmem:$0xAA00] =	vst v63  }
0xf6: {  	s21 =	simm.s32 $0x7A00;
	s20 =	simm.s32 $0x700  }
0xf7: {  	[tilespmem:s21], [sflag:$0x1] =	stream.indirect.gather [hbm4b:s15+s10], $0x10, s20, s10, $0xb8;
	[tilespmem:$0xAA00] =	vst v63  }
0xf8: {  	s22 =	simm.s32 $0x780;
	s25 =	simm.s32 $0x8200  }
0xf9: {  	[tilespmem:s25], [sflag:$0x1] =	stream.indirect.gather [hbm4b:s15+s10], $0x10, s22, s10, $0xb8;
	[tilespmem:$0xAA00] =	vst v63  }
0xfa: {  	_ = 	snop  }
0xfb: {  	[tilespmem:s24], [sflag:$0x1] =	stream.indirect.gather [hbm4b:s23+s10], $0x10, s8, s10, $0xb8;
	[tilespmem:$0xAA00] =	vst v63  }
0xfc: {  	s18 =	simm.s32 $0x880  }
0xfd: {  	[tilespmem:s26], [sflag:$0x1] =	stream.indirect.gather [hbm4b:s23+s10], $0x10, s18, s10, $0xb8;
	[tilespmem:$0xAA00] =	vst v63  }
0xfe: {  	_ = 	snop  }
0xff: {  	[tilespmem:s29], [sflag:$0x1] =	stream.indirect.gather [hbm4b:s23+s10], $0x10, s28, s10, $0xb8;
	[tilespmem:$0xAA00] =	vst v63  }
0x100: {  	_ = 	snop  }
0x101: {  	[tilespmem:s31], [sflag:$0x1] =	stream.indirect.gather [hbm4b:s23+s10], $0x10, s30, s10, $0xb8;
	[tilespmem:$0xAA00] =	vst v63  }
0x102: {  	_ =	swait.ge [sflag:s6], $0x800  }
0x103: {  	[sflag:s6] =	ssyncset.done $0x0  }
0x104: {  	[sflag:s6] =	ssyncadd.s32 $0xFFFFF800  }
0x105: {  	_ =	swait.ge [sflag:s6], $0x800  }
0x106: {  	[sflag:s6] =	ssyncset.done $0x0  }
0x107: {  	[sflag:s6] =	ssyncadd.s32 $0xFFFFF800  }
0x108: {  	_ =	swait.ge [sflag:s6], $0x800  }
0x109: {  	[sflag:s6] =	ssyncset.done $0x0  }
0x10a: {  	[sflag:s6] =	ssyncadd.s32 $0xFFFFF800  }
0x10b: {  	_ =	swait.ge [sflag:s6], $0x800  }
0x10c: {  	[sflag:s6] =	ssyncset.done $0x0  }
0x10d: {  	[sflag:s6] =	ssyncadd.s32 $0xFFFFF800  }
0x10e: {  	_ =	swait.ge [sflag:s6], $0x800  }
0x10f: {  	[sflag:s6] =	ssyncset.done $0x0  }
0x110: {  	[sflag:s6] =	ssyncadd.s32 $0xFFFFF800  }
0x111: {  	_ =	swait.ge [sflag:s6], $0x800  }
0x112: {  	[sflag:s6] =	ssyncset.done $0x0  }
0x113: {  	[sflag:s6] =	ssyncadd.s32 $0xFFFFF800  }
0x114: {  	_ =	swait.ge [sflag:s6], $0x800  }
0x115: {  	[sflag:s6] =	ssyncset.done $0x0  }
0x116: {  	[sflag:s6] =	ssyncadd.s32 $0xFFFFF800  }
0x117: {  	_ =	swait.ge [sflag:s6], $0x800  }
0x118: {  	[sflag:s6] =	ssyncset.done $0x0  }
0x119: {  	[sflag:s6] =	ssyncadd.s32 $0xFFFFF800  }
0x11a: {  	_ =	swait.ge [sflag:s6], $0x800  }
0x11b: {  	[sflag:s6] =	ssyncset.done $0x0  }
0x11c: {  	[sflag:s6] =	ssyncadd.s32 $0xFFFFF800  }
0x11d: {  	_ =	swait.ge [sflag:s6], $0x800  }
0x11e: {  	[sflag:s6] =	ssyncset.done $0x0  }
0x11f: {  	[sflag:s6] =	ssyncadd.s32 $0xFFFFF800  }
0x120: {  	_ =	swait.ge [sflag:s6], $0x800  }
0x121: {  	[sflag:s6] =	ssyncset.done $0x0  }
0x122: {  	[sflag:s6] =	ssyncadd.s32 $0xFFFFF800  }
0x123: {  	_ =	swait.ge [sflag:s6], $0x800  }
0x124: {  	[sflag:s6] =	ssyncset.done $0x0  }
0x125: {  	[sflag:s6] =	ssyncadd.s32 $0xFFFFF800  }
0x126: {  	_ =	swait.ge [sflag:s6], $0x800  }
0x127: {  	[sflag:s6] =	ssyncset.done $0x0  }
0x128: {  	[sflag:s6] =	ssyncadd.s32 $0xFFFFF800  }
0x129: {  	_ =	swait.ge [sflag:s6], $0x800  }
0x12a: {  	[sflag:s6] =	ssyncset.done $0x0  }
0x12b: {  	[sflag:s6] =	ssyncadd.s32 $0xFFFFF800  }
0x12c: {  	_ =	swait.ge [sflag:s6], $0x800  }
0x12d: {  	[sflag:s6] =	ssyncset.done $0x0  }
0x12e: {  	[sflag:s6] =	ssyncadd.s32 $0xFFFFF800  }
0x12f: {  	_ =	swait.ge [sflag:s6], $0x800  }
0x130: {  	[sflag:s6] =	ssyncset.done $0x0  }
0x131: {  	[sflag:s6] =	ssyncadd.s32 $0xFFFFF800  }
0x132: {  	_ =	swait.ge [sflag:s6], $0x800  }
0x133: {  	[sflag:s6] =	ssyncset.done $0x0  }
0x134: {  	[sflag:s6] =	ssyncadd.s32 $0xFFFFF800  }
0x135: {  	_ =	swait.ge [sflag:s6], $0x800  }
0x136: {  	[sflag:s6] =	ssyncset.done $0x0  }
0x137: {  	[sflag:s6] =	ssyncadd.s32 $0xFFFFF800  }
0x138: {  	_ =	swait.ge [sflag:s6], $0x800  }
0x139: {  	[sflag:s6] =	ssyncset.done $0x0  }
0x13a: {  	[sflag:s6] =	ssyncadd.s32 $0xFFFFF800  }
0x13b: {  	_ =	swait.ge [sflag:s6], $0x800  }
0x13c: {  	[sflag:s6] =	ssyncset.done $0x0  }
0x13d: {  	s19 =	rddreg [dreg:$0xd];
	[sflag:s6] =	ssyncadd.s32 $0xFFFFF800  }
0x13e: {  	[hbm4b:s19+s3] =	stream.linear.scatter [tilespmem:s11], [sflag:$0x1], $0x2000, $0x38;
	[tilespmem:$0xAA00] =	vst v63  }
0x13f: {  	s20 =	rddreg [dreg:$0xe]  }
0x140: {  	[hbm4b:s20+s3] =	stream.linear.scatter [tilespmem:s12], [sflag:$0x1], $0x2000, $0x38;
	[tilespmem:$0xAA00] =	vst v63  }
0x141: {  	s21 =	rddreg [dreg:$0xf]  }
0x142: {  	[hbm4b:s21+s3] =	stream.linear.scatter [tilespmem:s14], [sflag:$0x1], $0x2000, $0x38;
	[tilespmem:$0xAA00] =	vst v63  }
0x143: {  	s22 =	rddreg [dreg:$0x10]  }
0x144: {  	[hbm4b:s22+s3] =	stream.linear.scatter [tilespmem:s16], [sflag:$0x1], $0x2000, $0x38;
	[tilespmem:$0xAA00] =	vst v63  }
0x145: {  	s25 =	rddreg [dreg:$0x11]  }
0x146: {  	[hbm4b:s25+s3] =	stream.linear.scatter [tilespmem:s24], [sflag:$0x1], $0x2000, $0x38;
	[tilespmem:$0xAA00] =	vst v63  }
0x147: {  	_ =	swait.ge [sflag:s6], $0x2000  }
0x148: {  	[sflag:s6] =	ssyncset.done $0x0  }
0x149: {  	p0 =	sne.s32 s1, $0x1;
	[sflag:s6] =	ssyncadd.s32 $0xFFFFE000  }
.Ltmp1:
0x14a: {  	_ =	swait.ge [sflag:s6], $0x2000;
	(pc) =	sbr.rel @p0 .LBB2_1-.Ltmp1, $4  }
0x14b: {  	[sflag:s6] =	ssyncset.done $0x0  }
0x14c: {  	[sflag:s6] =	ssyncadd.s32 $0xFFFFE000  }
0x14d: {  	_ =	swait.ge [sflag:s6], $0x2000  }
0x14e: {  	s1 =	sadd.s32 $0xFFFFFFFF, s1;
	[sflag:s6] =	ssyncset.done $0x0  }
.LBB2_2:
0x14f: {  	[sflag:s6] =	ssyncadd.s32 $0xFFFFE000  }
0x150: {  	_ =	swait.ge [sflag:s6], $0x2000  }
0x151: {  	[sflag:s6] =	ssyncset.done $0x0  }
0x152: {  	[sflag:s6] =	ssyncadd.s32 $0xFFFFE000  }
0x153: {  	_ =	swait.ge [sflag:s6], $0x2000  }
0x154: {  	[sflag:s6] =	ssyncset.done $0x0  }
0x155: {  	[sflag:s6] =	ssyncadd.s32 $0xFFFFE000  }
0x156: {  	_ =	sfence.sel $0x180000  }
0x157: {  	[bflag:$0x0] =	sbarrier.arrive $0xFFFF  }
0x158: {  	_ =	strace $0x90000047  }
0x159: {  	s0 =	stileid.u32;
	[bflag:$0x2] =	sbarrier.arrive $0xFFFF  }
0x15a: {  	p0 =	sne.s32 s0, $0x0;
	s0 =	rddreg [dreg:$0x7]  }
0x15b: {  	s0 =	sadd.s32 @!p0 $0x100000, s0  }
0x15c: {  	[sflag:s0] =	ssyncadd.tile.s32 @!p0 $0x1;
	_ =	shalt  }
.Lfunc_end2:
_tile_overlayer_lowered:
.L_overlay_start_2:
0x15d: {  	(tag) =	ssettag $0x2  }
0x15e: {  	s0 =	rddreg [dreg:$0x0];
	s2 =	stileid.u32  }
0x15f: {  	s1 =	rddreg [dreg:$0x1];
	p0 =	sne.s32 s2, $0x0  }
0x160: {  	s3 =	rddreg [dreg:$0x2];
	[bflag:$0x3] =	sbarrier.arrive $0xFFFF;
	s2 =	simm.s32 @!p0 $0x1C02  }
0x161: {  	[timem:s3], [sflag:s2] =	dma.local @!p0 [hbm:s0], s1  }
0x162: {  	s0 =	simm.s32 @!p0 $0x2  }
0x163: {  	_ =	swait.ge @!p0 [sflag:s0], s1  }
0x164: {  	s1 =	ssub.s32 @!p0 $0x0, s1;
	[sflag:s0] =	ssyncset.done @!p0 $0x0  }
0x165: {  	[sflag:s0] =	ssyncadd.s32 @!p0 s1  }
0x166: {  	[bflag:$0x3] =	sbarrier.arrive $0xFFFF  }
0x167: {  	_ =	shalt  }

</sc_bundles>
